<compile_context>
chip_gen: v7x
topology: tpu7x:2x2x1
jax: 0.10.2.dev20260603
libtpu: 0.0.44.dev20260713+nightly
codegen_flags: <defaults>
</compile_context>

<pallas_src>
import functools

import jax
import jax.numpy as jnp
from jax import lax
from jax.experimental import pallas as pl
from jax.experimental.pallas import tpu as pltpu
from jax.experimental.pallas import tpu_sc as plsc

_L = 16


@functools.lru_cache(maxsize=None)
def _build(B, N, I):
    info = plsc.get_sparse_core_info()
    NC, NS = info.num_cores, info.num_subcores
    NW = NC * NS
    BPW = B // NW
    NG = BPW // _L
    NCH = I // _L

    mesh = plsc.VectorSubcoreMesh(core_axis_name="c", subcore_axis_name="s")

    @functools.partial(
        pl.kernel,
        mesh=mesh,
        out_type=jax.ShapeDtypeStruct((B, I), jnp.float32),
        compiler_params=pltpu.CompilerParams(use_tc_tiling_on_sc=True),
        scratch_types=[
            pltpu.VMEM((BPW,), jnp.int32),
            pltpu.VMEM((BPW, I), jnp.float32),
            pltpu.VMEM((BPW, I), jnp.float32),
            pltpu.VMEM((BPW, I), jnp.float32),
            pltpu.VMEM((BPW, I), jnp.float32),
            pltpu.SemaphoreType.DMA,
        ],
    )
    def decoder(supply_hbm, rl_hbm, dm_hbm, curr_hbm, out_hbm,
                idx_v, sup_v, rl_v, dm_v, out_v, sem):
        wid = lax.axis_index("s") * NC + lax.axis_index("c")
        base = wid * BPW
        iota = lax.iota(jnp.int32, _L)

        rl_cp = pltpu.async_copy(rl_hbm.at[pl.ds(base, BPW)], rl_v, sem)
        dm_cp = pltpu.async_copy(dm_hbm.at[pl.ds(base, BPW)], dm_v, sem)
        pltpu.sync_copy(curr_hbm.at[pl.ds(base, BPW)], idx_v)

        def flatten_ids(g, carry):
            sl = pl.ds(g * _L, _L)
            idx_v[sl] = idx_v[sl] * B + (base + g * _L + iota)
            return carry

        lax.fori_loop(0, NG, flatten_ids, 0)
        sup_cp = pltpu.async_copy(supply_hbm.at[idx_v], sup_v, sem)

        rl_cp.wait()
        dm_cp.wait()
        sup_cp.wait()

        giota = [c * _L + iota for c in range(NCH)]
        perms = [jnp.bitwise_xor(iota, sh) for sh in (8, 4, 2, 1)]

        def one_row(r):
            vs = []
            for c in range(NCH):
                cl = pl.ds(c * _L, _L)
                vs.append((jnp.minimum(jnp.minimum(sup_v[r, cl], rl_v[r, cl]),
                                       dm_v[r, cl]), giota[c]))
            while len(vs) > 1:
                nxt = []
                for a, b in zip(vs[0::2], vs[1::2]):
                    take = b[0] > a[0]
                    nxt.append((jnp.where(take, b[0], a[0]),
                                jnp.where(take, b[1], a[1])))
                vs = nxt
            acc_v, acc_i = vs[0]
            m = acc_v
            for p in perms:
                m = jnp.maximum(m, m.at[p].get(mode="promise_in_bounds"))
            best = jnp.where(acc_v == m, acc_i, I)
            for p in perms:
                best = jnp.minimum(best, best.at[p].get(mode="promise_in_bounds"))
            for c in range(NCH):
                out_v[r, pl.ds(c * _L, _L)] = jnp.where(
                    giota[c] == best, 1.0, 0.0).astype(jnp.float32)

        def row(r, carry):
            one_row(r)
            return carry

        H = BPW // 2
        lax.fori_loop(0, H, row, 0)
        out_cp = pltpu.async_copy(out_v.at[pl.ds(0, H)],
                                  out_hbm.at[pl.ds(base, H)], sem)
        lax.fori_loop(H, BPW, row, 0)
        out_cp.wait()
        pltpu.sync_copy(out_v.at[pl.ds(H, H)], out_hbm.at[pl.ds(base + H, H)])

    return decoder


def kernel(supply_w_depot, remaining_load, demand, curr_node):
    B, N, I = supply_w_depot.shape
    table = supply_w_depot.transpose(1, 0, 2).reshape(N * B, I)
    return _build(B, N, I)(table, remaining_load, demand,
                           curr_node.astype(jnp.int32))

# --- scband reference (transcript-rebuilt; emitter-appended) ---
"""Pipeline reference for scband-heuristic-item-decoder-46952582480393 (READ-ONLY COPY).

The authoritative reference and input builder live on the scoring server;
editing this copy changes nothing except your own understanding.
"""

import jax, jax.numpy as jnp
import numpy as np


def setup_inputs(seed: int = 0) -> dict:
    key = jax.random.key(seed)
    k1, k2, k3, k4 = jax.random.split(key, 4)
    B, N, I = 4096, 201, 128
    supply_w_depot = jax.random.uniform(k1, (B, N, I), dtype=jnp.float32) * 10.0
    remaining_load = jax.random.uniform(k2, (B, I), dtype=jnp.float32) * 10.0
    demand = jax.random.uniform(k3, (B, I), dtype=jnp.float32) * 10.0
    curr_node = jax.random.randint(k4, (B,), 0, N, dtype=jnp.int32)
    return {
        "supply_w_depot": supply_w_depot,
        "remaining_load": remaining_load,
        "demand": demand,
        "curr_node": curr_node,
    }


def reference(supply_w_depot, remaining_load, demand, curr_node):
    B = supply_w_depot.shape[0]
    # get_curr_node_embed: gather the supply row of the current node, squeeze node dim
    idx = curr_node.astype(jnp.int32)[:, None, None]  # [B,1,1]
    curr_node_supply = jnp.take_along_axis(supply_w_depot, idx, axis=1)[:, 0, :]  # [B,I]
    # potential amount = min(curr supply, remaining load, demand)
    potential_amount = jnp.minimum(curr_node_supply, remaining_load)
    potential_amount = jnp.minimum(potential_amount, demand)
    # one-hot over argmax item (torch scatter(1, argmax, 1) on zeros)
    best = jnp.argmax(potential_amount, axis=1)  # [B]
    probs = jnp.zeros_like(potential_amount).at[jnp.arange(B), best].set(1.0)
    return probs

if __name__ == "__main__":
    import jax
    _d = setup_inputs()
    print(jax.jit(kernel)(*tuple(_d.values())))

</pallas_src>

<mosaic_0001>
#map = affine_map<(d0, d1) -> (0, 0)>
#map1 = affine_map<(d0, d1) -> (0)>
module attributes {stable_mosaic.version = 14 : i64} {
  func.func @decoder(%arg0: i32, %arg1: i32, %arg2: memref<823296x128xf32, #tpu.memory_space<hbm>>, %arg3: memref<4096x128xf32, #tpu.memory_space<hbm>>, %arg4: memref<4096x128xf32, #tpu.memory_space<hbm>>, %arg5: memref<4096xi32, #tpu.memory_space<hbm>>, %arg6: memref<4096x128xf32, #tpu.memory_space<hbm>>, %arg7: memref<128xi32, #tpu.memory_space<vmem>>, %arg8: memref<128x128xf32, #tpu.memory_space<vmem>>, %arg9: memref<128x128xf32, #tpu.memory_space<vmem>>, %arg10: memref<128x128xf32, #tpu.memory_space<vmem>>, %arg11: memref<128x128xf32, #tpu.memory_space<vmem>>, %arg12: memref<!tpu.dma_semaphore, #tpu.memory_space<semaphore_mem>>) attributes {dimension_semantics = [#tpu.dimension_semantics<core_parallel>, #tpu.dimension_semantics<subcore_parallel>], iteration_bounds = array<i64: 2, 16>, scalar_prefetch = 0 : i64, scratch_operands = 6 : i64, tpu.core_type = #tpu.core_type<sc_vector_subcore>, window_params = [{transform_indices = #map}, {transform_indices = #map}, {transform_indices = #map}, {transform_indices = #map1}, {transform_indices = #map}]} {
    %mul3A = arith.constant 2 : i32
    %mul3A_0 = arith.muli %arg1, %mul3A : i32
    %add3A = arith.addi %mul3A_0, %arg0 : i32
    %mul3A_1 = arith.constant 128 : i32
    %mul3A_2 = arith.muli %add3A, %mul3A_1 : i32
    %iota3A = tpu.iota {dimensions = array<i32: 0>} : vector<16xi32>
    %dma_start3A = arith.constant 0 : i32
    %dma_start3A_3 = tpu.memref_slice %arg3[%mul3A_2, %dma_start3A] : memref<4096x128xf32, #tpu.memory_space<hbm>> -> memref<128x128xf32, #tpu.memory_space<hbm>>
    %dma_start3A_4 = arith.constant 0 : i32
    %dma_start3A_5 = tpu.memref_slice %arg3[%mul3A_2, %dma_start3A_4] : memref<4096x128xf32, #tpu.memory_space<hbm>> -> memref<128x128xf32, #tpu.memory_space<hbm>>
    tpu.enqueue_dma source(%dma_start3A_5 : memref<128x128xf32, #tpu.memory_space<hbm>>) target(%arg9 : memref<128x128xf32, #tpu.memory_space<vmem>>) target_semaphore(%arg12 : memref<!tpu.dma_semaphore, #tpu.memory_space<semaphore_mem>>)
    %dma_start3A_6 = arith.constant 0 : i32
    %dma_start3A_7 = tpu.memref_slice %arg4[%mul3A_2, %dma_start3A_6] : memref<4096x128xf32, #tpu.memory_space<hbm>> -> memref<128x128xf32, #tpu.memory_space<hbm>>
    %dma_start3A_8 = arith.constant 0 : i32
    %dma_start3A_9 = tpu.memref_slice %arg4[%mul3A_2, %dma_start3A_8] : memref<4096x128xf32, #tpu.memory_space<hbm>> -> memref<128x128xf32, #tpu.memory_space<hbm>>
    tpu.enqueue_dma source(%dma_start3A_9 : memref<128x128xf32, #tpu.memory_space<hbm>>) target(%arg10 : memref<128x128xf32, #tpu.memory_space<vmem>>) target_semaphore(%arg12 : memref<!tpu.dma_semaphore, #tpu.memory_space<semaphore_mem>>)
    "tpu.region"() ({
      %run_scoped3A = tpu.sem_alloc : memref<!tpu.dma_semaphore, #tpu.memory_space<semaphore_mem>>
      %dma_start3A_97 = tpu.memref_slice %arg5[%mul3A_2] : memref<4096xi32, #tpu.memory_space<hbm>> -> memref<128xi32, #tpu.memory_space<hbm>>
      %dma_start3A_98 = tpu.memref_slice %arg5[%mul3A_2] : memref<4096xi32, #tpu.memory_space<hbm>> -> memref<128xi32, #tpu.memory_space<hbm>>
      tpu.enqueue_dma source(%dma_start3A_98 : memref<128xi32, #tpu.memory_space<hbm>>) target(%arg7 : memref<128xi32, #tpu.memory_space<vmem>>) target_semaphore(%run_scoped3A : memref<!tpu.dma_semaphore, #tpu.memory_space<semaphore_mem>>)
      %dma_wait3A_99 = tpu.memref_slice %arg5[%mul3A_2] : memref<4096xi32, #tpu.memory_space<hbm>> -> memref<128xi32, #tpu.memory_space<hbm>>
      %dma_wait3A_100 = tpu.memref_slice %arg5[%mul3A_2] : memref<4096xi32, #tpu.memory_space<hbm>> -> memref<128xi32, #tpu.memory_space<hbm>>
      tpu.wait_dma2 semaphore(%run_scoped3A : memref<!tpu.dma_semaphore, #tpu.memory_space<semaphore_mem>>) src(%dma_wait3A_100 : memref<128xi32, #tpu.memory_space<hbm>>) dst(%arg7 : memref<128xi32, #tpu.memory_space<vmem>>)
      tpu.yield
    }) : () -> ()
    %scan3A = arith.constant 0 : i32
    %scan3A_10 = arith.constant 0 : i32
    %scan3A_11 = arith.constant 8 : i32
    %scan3A_12 = arith.addi %scan3A_10, %scan3A_11 : i32
    %scan3A_13 = arith.constant 1 : i32
    scf.for %scan3A_97 = %scan3A_10 to %scan3A_12 step %scan3A_13  : i32 {
      %mul3A_98 = arith.constant 16 : i32
      %mul3A_99 = arith.muli %scan3A_97, %mul3A_98 : i32
      %get3A = arith.index_cast %mul3A_99 : i32 to index
      %get3A_100 = tpu.vector_load %arg7[%get3A] {strides = array<i32>} : memref<128xi32, #tpu.memory_space<vmem>>, vector<16xi32>,
      %get3A_101 = vector.shape_cast %get3A_100 : vector<16xi32> to vector<16xi32>
      %mul3A_102 = arith.constant 4096 : i32
      %mul3A_103 = vector.broadcast %mul3A_102 : i32 to vector<16xi32>
      %mul3A_104 = arith.muli %get3A_101, %mul3A_103 : vector<16xi32>
      %mul3A_105 = arith.constant 16 : i32
      %mul3A_106 = arith.muli %scan3A_97, %mul3A_105 : i32
      %add3A_107 = arith.addi %mul3A_2, %mul3A_106 : i32
      %add3A_108 = vector.broadcast %add3A_107 : i32 to vector<16xi32>
      %add3A_109 = arith.addi %add3A_108, %iota3A : vector<16xi32>
      %add3A_110 = arith.addi %mul3A_104, %add3A_109 : vector<16xi32>
      %swap3A = arith.index_cast %mul3A_99 : i32 to index
      %swap3A_111 = tpu.vector_load %arg7[%swap3A] {strides = array<i32>} : memref<128xi32, #tpu.memory_space<vmem>>, vector<16xi32>,
      %swap3A_112 = vector.shape_cast %swap3A_111 : vector<16xi32> to vector<16xi32>
      %swap3A_113 = vector.shape_cast %add3A_110 : vector<16xi32> to vector<16xi32>
      tpu.vector_store %arg7[%swap3A], %swap3A_113 {strides = array<i32>} : memref<128xi32, #tpu.memory_space<vmem>>, vector<16xi32>,
    }
    %scan3A_14 = arith.constant 8 : i32
    %dma_start3A_15 = arith.constant 0 : i32
    %dma_start3A_16 = arith.constant 0 : i32
    %dma_start3A_17 = tpu.memref_slice %arg2[%dma_start3A_15, %dma_start3A_16] : memref<823296x128xf32, #tpu.memory_space<hbm>> -> memref<823296x128xf32, #tpu.memory_space<hbm>>
    tpu.enqueue_indirect_dma source(%dma_start3A_17 : memref<823296x128xf32, #tpu.memory_space<hbm>>) target(%arg8 : memref<128x128xf32, #tpu.memory_space<vmem>>) offsets(%arg7 : memref<128xi32, #tpu.memory_space<vmem>>) semaphore(%arg12 : memref<!tpu.dma_semaphore, #tpu.memory_space<semaphore_mem>>)
    %dma_wait3A = arith.constant 0 : i32
    %dma_wait3A_18 = tpu.memref_slice %arg3[%mul3A_2, %dma_wait3A] : memref<4096x128xf32, #tpu.memory_space<hbm>> -> memref<128x128xf32, #tpu.memory_space<hbm>>
    %dma_wait3A_19 = arith.constant 0 : i32
    %dma_wait3A_20 = tpu.memref_slice %arg3[%mul3A_2, %dma_wait3A_19] : memref<4096x128xf32, #tpu.memory_space<hbm>> -> memref<128x128xf32, #tpu.memory_space<hbm>>
    tpu.wait_dma2 semaphore(%arg12 : memref<!tpu.dma_semaphore, #tpu.memory_space<semaphore_mem>>) src(%dma_wait3A_20 : memref<128x128xf32, #tpu.memory_space<hbm>>) dst(%arg9 : memref<128x128xf32, #tpu.memory_space<vmem>>)
    %dma_wait3A_21 = arith.constant 0 : i32
    %dma_wait3A_22 = tpu.memref_slice %arg4[%mul3A_2, %dma_wait3A_21] : memref<4096x128xf32, #tpu.memory_space<hbm>> -> memref<128x128xf32, #tpu.memory_space<hbm>>
    %dma_wait3A_23 = arith.constant 0 : i32
    %dma_wait3A_24 = tpu.memref_slice %arg4[%mul3A_2, %dma_wait3A_23] : memref<4096x128xf32, #tpu.memory_space<hbm>> -> memref<128x128xf32, #tpu.memory_space<hbm>>
    tpu.wait_dma2 semaphore(%arg12 : memref<!tpu.dma_semaphore, #tpu.memory_space<semaphore_mem>>) src(%dma_wait3A_24 : memref<128x128xf32, #tpu.memory_space<hbm>>) dst(%arg10 : memref<128x128xf32, #tpu.memory_space<vmem>>)
    %dma_wait3A_25 = arith.constant 0 : i32
    %dma_wait3A_26 = arith.constant 0 : i32
    %dma_wait3A_27 = tpu.memref_slice %arg2[%dma_wait3A_25, %dma_wait3A_26] : memref<823296x128xf32, #tpu.memory_space<hbm>> -> memref<823296x128xf32, #tpu.memory_space<hbm>>
    tpu.wait_indirect_dma semaphore(%arg12 : memref<!tpu.dma_semaphore, #tpu.memory_space<semaphore_mem>>) src(%dma_wait3A_27 : memref<823296x128xf32, #tpu.memory_space<hbm>>) dst(%arg8 : memref<128x128xf32, #tpu.memory_space<vmem>>)
    %add3A_28 = arith.constant 0 : i32
    %add3A_29 = vector.broadcast %add3A_28 : i32 to vector<16xi32>
    %add3A_30 = arith.addi %add3A_29, %iota3A : vector<16xi32>
    %add3A_31 = arith.constant 16 : i32
    %add3A_32 = vector.broadcast %add3A_31 : i32 to vector<16xi32>
    %add3A_33 = arith.addi %add3A_32, %iota3A : vector<16xi32>
    %add3A_34 = arith.constant 32 : i32
    %add3A_35 = vector.broadcast %add3A_34 : i32 to vector<16xi32>
    %add3A_36 = arith.addi %add3A_35, %iota3A : vector<16xi32>
    %add3A_37 = arith.constant 48 : i32
    %add3A_38 = vector.broadcast %add3A_37 : i32 to vector<16xi32>
    %add3A_39 = arith.addi %add3A_38, %iota3A : vector<16xi32>
    %add3A_40 = arith.constant 64 : i32
    %add3A_41 = vector.broadcast %add3A_40 : i32 to vector<16xi32>
    %add3A_42 = arith.addi %add3A_41, %iota3A : vector<16xi32>
    %add3A_43 = arith.constant 80 : i32
    %add3A_44 = vector.broadcast %add3A_43 : i32 to vector<16xi32>
    %add3A_45 = arith.addi %add3A_44, %iota3A : vector<16xi32>
    %add3A_46 = arith.constant 96 : i32
    %add3A_47 = vector.broadcast %add3A_46 : i32 to vector<16xi32>
    %add3A_48 = arith.addi %add3A_47, %iota3A : vector<16xi32>
    %add3A_49 = arith.constant 112 : i32
    %add3A_50 = vector.broadcast %add3A_49 : i32 to vector<16xi32>
    %add3A_51 = arith.addi %add3A_50, %iota3A : vector<16xi32>
    %xor3A = arith.constant 8 : i32
    %xor3A_52 = vector.broadcast %xor3A : i32 to vector<16xi32>
    %xor3A_53 = arith.xori %iota3A, %xor3A_52 : vector<16xi32>
    %xor3A_54 = arith.constant 4 : i32
    %xor3A_55 = vector.broadcast %xor3A_54 : i32 to vector<16xi32>
    %xor3A_56 = arith.xori %iota3A, %xor3A_55 : vector<16xi32>
    %xor3A_57 = arith.constant 2 : i32
    %xor3A_58 = vector.broadcast %xor3A_57 : i32 to vector<16xi32>
    %xor3A_59 = arith.xori %iota3A, %xor3A_58 : vector<16xi32>
    %xor3A_60 = arith.constant 1 : i32
    %xor3A_61 = vector.broadcast %xor3A_60 : i32 to vector<16xi32>
    %xor3A_62 = arith.xori %iota3A, %xor3A_61 : vector<16xi32>
    %scan3A_63 = arith.constant 0 : i32
    %scan3A_64 = arith.constant 0 : i32
    %scan3A_65 = arith.constant 64 : i32
    %scan3A_66 = arith.addi %scan3A_64, %scan3A_65 : i32
    %scan3A_67 = arith.constant 1 : i32
    scf.for %scan3A_97 = %scan3A_64 to %scan3A_66 step %scan3A_67  : i32 {
      %get3A = arith.index_cast %scan3A_97 : i32 to index
      %get3A_98 = arith.constant 0 : index
      %get3A_99 = tpu.vector_load %arg8[%get3A, %get3A_98] {strides = array<i32>} : memref<128x128xf32, #tpu.memory_space<vmem>>, vector<1x16xf32>,
      %get3A_100 = vector.shape_cast %get3A_99 : vector<1x16xf32> to vector<16xf32>
      %get3A_101 = arith.index_cast %scan3A_97 : i32 to index
      %get3A_102 = arith.constant 0 : index
      %get3A_103 = tpu.vector_load %arg9[%get3A_101, %get3A_102] {strides = array<i32>} : memref<128x128xf32, #tpu.memory_space<vmem>>, vector<1x16xf32>,
      %get3A_104 = vector.shape_cast %get3A_103 : vector<1x16xf32> to vector<16xf32>
      %min3A = arith.minimumf %get3A_100, %get3A_104 : vector<16xf32>
      %get3A_105 = arith.index_cast %scan3A_97 : i32 to index
      %get3A_106 = arith.constant 0 : index
      %get3A_107 = tpu.vector_load %arg10[%get3A_105, %get3A_106] {strides = array<i32>} : memref<128x128xf32, #tpu.memory_space<vmem>>, vector<1x16xf32>,
      %get3A_108 = vector.shape_cast %get3A_107 : vector<1x16xf32> to vector<16xf32>
      %min3A_109 = arith.minimumf %min3A, %get3A_108 : vector<16xf32>
      %get3A_110 = arith.index_cast %scan3A_97 : i32 to index
      %get3A_111 = arith.constant 16 : index
      %get3A_112 = tpu.vector_load %arg8[%get3A_110, %get3A_111] {strides = array<i32>} : memref<128x128xf32, #tpu.memory_space<vmem>>, vector<1x16xf32>,
      %get3A_113 = vector.shape_cast %get3A_112 : vector<1x16xf32> to vector<16xf32>
      %get3A_114 = arith.index_cast %scan3A_97 : i32 to index
      %get3A_115 = arith.constant 16 : index
      %get3A_116 = tpu.vector_load %arg9[%get3A_114, %get3A_115] {strides = array<i32>} : memref<128x128xf32, #tpu.memory_space<vmem>>, vector<1x16xf32>,
      %get3A_117 = vector.shape_cast %get3A_116 : vector<1x16xf32> to vector<16xf32>
      %min3A_118 = arith.minimumf %get3A_113, %get3A_117 : vector<16xf32>
      %get3A_119 = arith.index_cast %scan3A_97 : i32 to index
      %get3A_120 = arith.constant 16 : index
      %get3A_121 = tpu.vector_load %arg10[%get3A_119, %get3A_120] {strides = array<i32>} : memref<128x128xf32, #tpu.memory_space<vmem>>, vector<1x16xf32>,
      %get3A_122 = vector.shape_cast %get3A_121 : vector<1x16xf32> to vector<16xf32>
      %min3A_123 = arith.minimumf %min3A_118, %get3A_122 : vector<16xf32>
      %get3A_124 = arith.index_cast %scan3A_97 : i32 to index
      %get3A_125 = arith.constant 32 : index
      %get3A_126 = tpu.vector_load %arg8[%get3A_124, %get3A_125] {strides = array<i32>} : memref<128x128xf32, #tpu.memory_space<vmem>>, vector<1x16xf32>,
      %get3A_127 = vector.shape_cast %get3A_126 : vector<1x16xf32> to vector<16xf32>
      %get3A_128 = arith.index_cast %scan3A_97 : i32 to index
      %get3A_129 = arith.constant 32 : index
      %get3A_130 = tpu.vector_load %arg9[%get3A_128, %get3A_129] {strides = array<i32>} : memref<128x128xf32, #tpu.memory_space<vmem>>, vector<1x16xf32>,
      %get3A_131 = vector.shape_cast %get3A_130 : vector<1x16xf32> to vector<16xf32>
      %min3A_132 = arith.minimumf %get3A_127, %get3A_131 : vector<16xf32>
      %get3A_133 = arith.index_cast %scan3A_97 : i32 to index
      %get3A_134 = arith.constant 32 : index
      %get3A_135 = tpu.vector_load %arg10[%get3A_133, %get3A_134] {strides = array<i32>} : memref<128x128xf32, #tpu.memory_space<vmem>>, vector<1x16xf32>,
      %get3A_136 = vector.shape_cast %get3A_135 : vector<1x16xf32> to vector<16xf32>
      %min3A_137 = arith.minimumf %min3A_132, %get3A_136 : vector<16xf32>
      %get3A_138 = arith.index_cast %scan3A_97 : i32 to index
      %get3A_139 = arith.constant 48 : index
      %get3A_140 = tpu.vector_load %arg8[%get3A_138, %get3A_139] {strides = array<i32>} : memref<128x128xf32, #tpu.memory_space<vmem>>, vector<1x16xf32>,
      %get3A_141 = vector.shape_cast %get3A_140 : vector<1x16xf32> to vector<16xf32>
      %get3A_142 = arith.index_cast %scan3A_97 : i32 to index
      %get3A_143 = arith.constant 48 : index
      %get3A_144 = tpu.vector_load %arg9[%get3A_142, %get3A_143] {strides = array<i32>} : memref<128x128xf32, #tpu.memory_space<vmem>>, vector<1x16xf32>,
      %get3A_145 = vector.shape_cast %get3A_144 : vector<1x16xf32> to vector<16xf32>
      %min3A_146 = arith.minimumf %get3A_141, %get3A_145 : vector<16xf32>
      %get3A_147 = arith.index_cast %scan3A_97 : i32 to index
      %get3A_148 = arith.constant 48 : index
      %get3A_149 = tpu.vector_load %arg10[%get3A_147, %get3A_148] {strides = array<i32>} : memref<128x128xf32, #tpu.memory_space<vmem>>, vector<1x16xf32>,
      %get3A_150 = vector.shape_cast %get3A_149 : vector<1x16xf32> to vector<16xf32>
      %min3A_151 = arith.minimumf %min3A_146, %get3A_150 : vector<16xf32>
      %get3A_152 = arith.index_cast %scan3A_97 : i32 to index
      %get3A_153 = arith.constant 64 : index
      %get3A_154 = tpu.vector_load %arg8[%get3A_152, %get3A_153] {strides = array<i32>} : memref<128x128xf32, #tpu.memory_space<vmem>>, vector<1x16xf32>,
      %get3A_155 = vector.shape_cast %get3A_154 : vector<1x16xf32> to vector<16xf32>
      %get3A_156 = arith.index_cast %scan3A_97 : i32 to index
      %get3A_157 = arith.constant 64 : index
      %get3A_158 = tpu.vector_load %arg9[%get3A_156, %get3A_157] {strides = array<i32>} : memref<128x128xf32, #tpu.memory_space<vmem>>, vector<1x16xf32>,
      %get3A_159 = vector.shape_cast %get3A_158 : vector<1x16xf32> to vector<16xf32>
      %min3A_160 = arith.minimumf %get3A_155, %get3A_159 : vector<16xf32>
      %get3A_161 = arith.index_cast %scan3A_97 : i32 to index
      %get3A_162 = arith.constant 64 : index
      %get3A_163 = tpu.vector_load %arg10[%get3A_161, %get3A_162] {strides = array<i32>} : memref<128x128xf32, #tpu.memory_space<vmem>>, vector<1x16xf32>,
      %get3A_164 = vector.shape_cast %get3A_163 : vector<1x16xf32> to vector<16xf32>
      %min3A_165 = arith.minimumf %min3A_160, %get3A_164 : vector<16xf32>
      %get3A_166 = arith.index_cast %scan3A_97 : i32 to index
      %get3A_167 = arith.constant 80 : index
      %get3A_168 = tpu.vector_load %arg8[%get3A_166, %get3A_167] {strides = array<i32>} : memref<128x128xf32, #tpu.memory_space<vmem>>, vector<1x16xf32>,
      %get3A_169 = vector.shape_cast %get3A_168 : vector<1x16xf32> to vector<16xf32>
      %get3A_170 = arith.index_cast %scan3A_97 : i32 to index
      %get3A_171 = arith.constant 80 : index
      %get3A_172 = tpu.vector_load %arg9[%get3A_170, %get3A_171] {strides = array<i32>} : memref<128x128xf32, #tpu.memory_space<vmem>>, vector<1x16xf32>,
      %get3A_173 = vector.shape_cast %get3A_172 : vector<1x16xf32> to vector<16xf32>
      %min3A_174 = arith.minimumf %get3A_169, %get3A_173 : vector<16xf32>
      %get3A_175 = arith.index_cast %scan3A_97 : i32 to index
      %get3A_176 = arith.constant 80 : index
      %get3A_177 = tpu.vector_load %arg10[%get3A_175, %get3A_176] {strides = array<i32>} : memref<128x128xf32, #tpu.memory_space<vmem>>, vector<1x16xf32>,
      %get3A_178 = vector.shape_cast %get3A_177 : vector<1x16xf32> to vector<16xf32>
      %min3A_179 = arith.minimumf %min3A_174, %get3A_178 : vector<16xf32>
      %get3A_180 = arith.index_cast %scan3A_97 : i32 to index
      %get3A_181 = arith.constant 96 : index
      %get3A_182 = tpu.vector_load %arg8[%get3A_180, %get3A_181] {strides = array<i32>} : memref<128x128xf32, #tpu.memory_space<vmem>>, vector<1x16xf32>,
      %get3A_183 = vector.shape_cast %get3A_182 : vector<1x16xf32> to vector<16xf32>
      %get3A_184 = arith.index_cast %scan3A_97 : i32 to index
      %get3A_185 = arith.constant 96 : index
      %get3A_186 = tpu.vector_load %arg9[%get3A_184, %get3A_185] {strides = array<i32>} : memref<128x128xf32, #tpu.memory_space<vmem>>, vector<1x16xf32>,
      %get3A_187 = vector.shape_cast %get3A_186 : vector<1x16xf32> to vector<16xf32>
      %min3A_188 = arith.minimumf %get3A_183, %get3A_187 : vector<16xf32>
      %get3A_189 = arith.index_cast %scan3A_97 : i32 to index
      %get3A_190 = arith.constant 96 : index
      %get3A_191 = tpu.vector_load %arg10[%get3A_189, %get3A_190] {strides = array<i32>} : memref<128x128xf32, #tpu.memory_space<vmem>>, vector<1x16xf32>,
      %get3A_192 = vector.shape_cast %get3A_191 : vector<1x16xf32> to vector<16xf32>
      %min3A_193 = arith.minimumf %min3A_188, %get3A_192 : vector<16xf32>
      %get3A_194 = arith.index_cast %scan3A_97 : i32 to index
      %get3A_195 = arith.constant 112 : index
      %get3A_196 = tpu.vector_load %arg8[%get3A_194, %get3A_195] {strides = array<i32>} : memref<128x128xf32, #tpu.memory_space<vmem>>, vector<1x16xf32>,
      %get3A_197 = vector.shape_cast %get3A_196 : vector<1x16xf32> to vector<16xf32>
      %get3A_198 = arith.index_cast %scan3A_97 : i32 to index
      %get3A_199 = arith.constant 112 : index
      %get3A_200 = tpu.vector_load %arg9[%get3A_198, %get3A_199] {strides = array<i32>} : memref<128x128xf32, #tpu.memory_space<vmem>>, vector<1x16xf32>,
      %get3A_201 = vector.shape_cast %get3A_200 : vector<1x16xf32> to vector<16xf32>
      %min3A_202 = arith.minimumf %get3A_197, %get3A_201 : vector<16xf32>
      %get3A_203 = arith.index_cast %scan3A_97 : i32 to index
      %get3A_204 = arith.constant 112 : index
      %get3A_205 = tpu.vector_load %arg10[%get3A_203, %get3A_204] {strides = array<i32>} : memref<128x128xf32, #tpu.memory_space<vmem>>, vector<1x16xf32>,
      %get3A_206 = vector.shape_cast %get3A_205 : vector<1x16xf32> to vector<16xf32>
      %min3A_207 = arith.minimumf %min3A_202, %get3A_206 : vector<16xf32>
      %gt3A = arith.cmpf ogt, %min3A_123, %min3A_109 : vector<16xf32>
      %select_n3A = arith.select %gt3A, %min3A_123, %min3A_109 : vector<16xi1>, vector<16xf32>
      %select_n3A_208 = arith.select %gt3A, %add3A_33, %add3A_30 : vector<16xi1>, vector<16xi32>
      %gt3A_209 = arith.cmpf ogt, %min3A_151, %min3A_137 : vector<16xf32>
      %select_n3A_210 = arith.select %gt3A_209, %min3A_151, %min3A_137 : vector<16xi1>, vector<16xf32>
      %select_n3A_211 = arith.select %gt3A_209, %add3A_39, %add3A_36 : vector<16xi1>, vector<16xi32>
      %gt3A_212 = arith.cmpf ogt, %min3A_179, %min3A_165 : vector<16xf32>
      %select_n3A_213 = arith.select %gt3A_212, %min3A_179, %min3A_165 : vector<16xi1>, vector<16xf32>
      %select_n3A_214 = arith.select %gt3A_212, %add3A_45, %add3A_42 : vector<16xi1>, vector<16xi32>
      %gt3A_215 = arith.cmpf ogt, %min3A_207, %min3A_193 : vector<16xf32>
      %select_n3A_216 = arith.select %gt3A_215, %min3A_207, %min3A_193 : vector<16xi1>, vector<16xf32>
      %select_n3A_217 = arith.select %gt3A_215, %add3A_51, %add3A_48 : vector<16xi1>, vector<16xi32>
      %gt3A_218 = arith.cmpf ogt, %select_n3A_210, %select_n3A : vector<16xf32>
      %select_n3A_219 = arith.select %gt3A_218, %select_n3A_210, %select_n3A : vector<16xi1>, vector<16xf32>
      %select_n3A_220 = arith.select %gt3A_218, %select_n3A_211, %select_n3A_208 : vector<16xi1>, vector<16xi32>
      %gt3A_221 = arith.cmpf ogt, %select_n3A_216, %select_n3A_213 : vector<16xf32>
      %select_n3A_222 = arith.select %gt3A_221, %select_n3A_216, %select_n3A_213 : vector<16xi1>, vector<16xf32>
      %select_n3A_223 = arith.select %gt3A_221, %select_n3A_217, %select_n3A_214 : vector<16xi1>, vector<16xi32>
      %gt3A_224 = arith.cmpf ogt, %select_n3A_222, %select_n3A_219 : vector<16xf32>
      %select_n3A_225 = arith.select %gt3A_224, %select_n3A_222, %select_n3A_219 : vector<16xi1>, vector<16xf32>
      %select_n3A_226 = arith.select %gt3A_224, %select_n3A_223, %select_n3A_220 : vector<16xi1>, vector<16xi32>
      %lt3A = arith.constant 0 : i32
      %lt3A_227 = vector.broadcast %lt3A : i32 to vector<16xi32>
      %lt3A_228 = arith.cmpi slt, %xor3A_53, %lt3A_227 : vector<16xi32>
      %add3A_229 = arith.constant 16 : i32
      %add3A_230 = vector.broadcast %add3A_229 : i32 to vector<16xi32>
      %add3A_231 = arith.addi %xor3A_53, %add3A_230 : vector<16xi32>
      %select_n3A_232 = arith.select %lt3A_228, %add3A_231, %xor3A_53 : vector<16xi1>, vector<16xi32>
      %broadcast_in_dim3A = vector.shape_cast %select_n3A_232 : vector<16xi32> to vector<16x1xi32>
      %gather3A = vector.shape_cast %broadcast_in_dim3A : vector<16x1xi32> to vector<16xi32>
      %gather3A_233 = tpu.dynamic_gather %select_n3A_225[%gather3A] in [0] : vector<16xf32>, vector<16xi32> -> vector<16xf32>
      %max3A = arith.maximumf %select_n3A_225, %gather3A_233 : vector<16xf32>
      %lt3A_234 = arith.constant 0 : i32
      %lt3A_235 = vector.broadcast %lt3A_234 : i32 to vector<16xi32>
      %lt3A_236 = arith.cmpi slt, %xor3A_56, %lt3A_235 : vector<16xi32>
      %add3A_237 = arith.constant 16 : i32
      %add3A_238 = vector.broadcast %add3A_237 : i32 to vector<16xi32>
      %add3A_239 = arith.addi %xor3A_56, %add3A_238 : vector<16xi32>
      %select_n3A_240 = arith.select %lt3A_236, %add3A_239, %xor3A_56 : vector<16xi1>, vector<16xi32>
      %broadcast_in_dim3A_241 = vector.shape_cast %select_n3A_240 : vector<16xi32> to vector<16x1xi32>
      %gather3A_242 = vector.shape_cast %broadcast_in_dim3A_241 : vector<16x1xi32> to vector<16xi32>
      %gather3A_243 = tpu.dynamic_gather %max3A[%gather3A_242] in [0] : vector<16xf32>, vector<16xi32> -> vector<16xf32>
      %max3A_244 = arith.maximumf %max3A, %gather3A_243 : vector<16xf32>
      %lt3A_245 = arith.constant 0 : i32
      %lt3A_246 = vector.broadcast %lt3A_245 : i32 to vector<16xi32>
      %lt3A_247 = arith.cmpi slt, %xor3A_59, %lt3A_246 : vector<16xi32>
      %add3A_248 = arith.constant 16 : i32
      %add3A_249 = vector.broadcast %add3A_248 : i32 to vector<16xi32>
      %add3A_250 = arith.addi %xor3A_59, %add3A_249 : vector<16xi32>
      %select_n3A_251 = arith.select %lt3A_247, %add3A_250, %xor3A_59 : vector<16xi1>, vector<16xi32>
      %broadcast_in_dim3A_252 = vector.shape_cast %select_n3A_251 : vector<16xi32> to vector<16x1xi32>
      %gather3A_253 = vector.shape_cast %broadcast_in_dim3A_252 : vector<16x1xi32> to vector<16xi32>
      %gather3A_254 = tpu.dynamic_gather %max3A_244[%gather3A_253] in [0] : vector<16xf32>, vector<16xi32> -> vector<16xf32>
      %max3A_255 = arith.maximumf %max3A_244, %gather3A_254 : vector<16xf32>
      %lt3A_256 = arith.constant 0 : i32
      %lt3A_257 = vector.broadcast %lt3A_256 : i32 to vector<16xi32>
      %lt3A_258 = arith.cmpi slt, %xor3A_62, %lt3A_257 : vector<16xi32>
      %add3A_259 = arith.constant 16 : i32
      %add3A_260 = vector.broadcast %add3A_259 : i32 to vector<16xi32>
      %add3A_261 = arith.addi %xor3A_62, %add3A_260 : vector<16xi32>
      %select_n3A_262 = arith.select %lt3A_258, %add3A_261, %xor3A_62 : vector<16xi1>, vector<16xi32>
      %broadcast_in_dim3A_263 = vector.shape_cast %select_n3A_262 : vector<16xi32> to vector<16x1xi32>
      %gather3A_264 = vector.shape_cast %broadcast_in_dim3A_263 : vector<16x1xi32> to vector<16xi32>
      %gather3A_265 = tpu.dynamic_gather %max3A_255[%gather3A_264] in [0] : vector<16xf32>, vector<16xi32> -> vector<16xf32>
      %max3A_266 = arith.maximumf %max3A_255, %gather3A_265 : vector<16xf32>
      %eq3A = arith.cmpf oeq, %select_n3A_225, %max3A_266 : vector<16xf32>
      %jit3A = arith.constant 128 : i32
      %broadcast_in_dim3A_267 = vector.broadcast %jit3A : i32 to vector<16xi32>
      %select_n3A_268 = arith.select %eq3A, %select_n3A_226, %broadcast_in_dim3A_267 : vector<16xi1>, vector<16xi32>
      %lt3A_269 = arith.constant 0 : i32
      %lt3A_270 = vector.broadcast %lt3A_269 : i32 to vector<16xi32>
      %lt3A_271 = arith.cmpi slt, %xor3A_53, %lt3A_270 : vector<16xi32>
      %add3A_272 = arith.constant 16 : i32
      %add3A_273 = vector.broadcast %add3A_272 : i32 to vector<16xi32>
      %add3A_274 = arith.addi %xor3A_53, %add3A_273 : vector<16xi32>
      %select_n3A_275 = arith.select %lt3A_271, %add3A_274, %xor3A_53 : vector<16xi1>, vector<16xi32>
      %broadcast_in_dim3A_276 = vector.shape_cast %select_n3A_275 : vector<16xi32> to vector<16x1xi32>
      %gather3A_277 = vector.shape_cast %broadcast_in_dim3A_276 : vector<16x1xi32> to vector<16xi32>
      %gather3A_278 = tpu.dynamic_gather %select_n3A_268[%gather3A_277] in [0] : vector<16xi32>, vector<16xi32> -> vector<16xi32>
      %min3A_279 = arith.minsi %select_n3A_268, %gather3A_278 : vector<16xi32>
      %lt3A_280 = arith.constant 0 : i32
      %lt3A_281 = vector.broadcast %lt3A_280 : i32 to vector<16xi32>
      %lt3A_282 = arith.cmpi slt, %xor3A_56, %lt3A_281 : vector<16xi32>
      %add3A_283 = arith.constant 16 : i32
      %add3A_284 = vector.broadcast %add3A_283 : i32 to vector<16xi32>
      %add3A_285 = arith.addi %xor3A_56, %add3A_284 : vector<16xi32>
      %select_n3A_286 = arith.select %lt3A_282, %add3A_285, %xor3A_56 : vector<16xi1>, vector<16xi32>
      %broadcast_in_dim3A_287 = vector.shape_cast %select_n3A_286 : vector<16xi32> to vector<16x1xi32>
      %gather3A_288 = vector.shape_cast %broadcast_in_dim3A_287 : vector<16x1xi32> to vector<16xi32>
      %gather3A_289 = tpu.dynamic_gather %min3A_279[%gather3A_288] in [0] : vector<16xi32>, vector<16xi32> -> vector<16xi32>
      %min3A_290 = arith.minsi %min3A_279, %gather3A_289 : vector<16xi32>
      %lt3A_291 = arith.constant 0 : i32
      %lt3A_292 = vector.broadcast %lt3A_291 : i32 to vector<16xi32>
      %lt3A_293 = arith.cmpi slt, %xor3A_59, %lt3A_292 : vector<16xi32>
      %add3A_294 = arith.constant 16 : i32
      %add3A_295 = vector.broadcast %add3A_294 : i32 to vector<16xi32>
      %add3A_296 = arith.addi %xor3A_59, %add3A_295 : vector<16xi32>
      %select_n3A_297 = arith.select %lt3A_293, %add3A_296, %xor3A_59 : vector<16xi1>, vector<16xi32>
      %broadcast_in_dim3A_298 = vector.shape_cast %select_n3A_297 : vector<16xi32> to vector<16x1xi32>
      %gather3A_299 = vector.shape_cast %broadcast_in_dim3A_298 : vector<16x1xi32> to vector<16xi32>
      %gather3A_300 = tpu.dynamic_gather %min3A_290[%gather3A_299] in [0] : vector<16xi32>, vector<16xi32> -> vector<16xi32>
      %min3A_301 = arith.minsi %min3A_290, %gather3A_300 : vector<16xi32>
      %lt3A_302 = arith.constant 0 : i32
      %lt3A_303 = vector.broadcast %lt3A_302 : i32 to vector<16xi32>
      %lt3A_304 = arith.cmpi slt, %xor3A_62, %lt3A_303 : vector<16xi32>
      %add3A_305 = arith.constant 16 : i32
      %add3A_306 = vector.broadcast %add3A_305 : i32 to vector<16xi32>
      %add3A_307 = arith.addi %xor3A_62, %add3A_306 : vector<16xi32>
      %select_n3A_308 = arith.select %lt3A_304, %add3A_307, %xor3A_62 : vector<16xi1>, vector<16xi32>
      %broadcast_in_dim3A_309 = vector.shape_cast %select_n3A_308 : vector<16xi32> to vector<16x1xi32>
      %gather3A_310 = vector.shape_cast %broadcast_in_dim3A_309 : vector<16x1xi32> to vector<16xi32>
      %gather3A_311 = tpu.dynamic_gather %min3A_301[%gather3A_310] in [0] : vector<16xi32>, vector<16xi32> -> vector<16xi32>
      %min3A_312 = arith.minsi %min3A_301, %gather3A_311 : vector<16xi32>
      %eq3A_313 = arith.cmpi eq, %add3A_30, %min3A_312 : vector<16xi32>
      %jit3A_314 = arith.constant 1.000000e+00 : f32
      %jit3A_315 = arith.constant 0.000000e+00 : f32
      %broadcast_in_dim3A_316 = vector.broadcast %jit3A_314 : f32 to vector<16xf32>
      %broadcast_in_dim3A_317 = vector.broadcast %jit3A_315 : f32 to vector<16xf32>
      %select_n3A_318 = arith.select %eq3A_313, %broadcast_in_dim3A_316, %broadcast_in_dim3A_317 : vector<16xi1>, vector<16xf32>
      %swap3A = arith.index_cast %scan3A_97 : i32 to index
      %swap3A_319 = arith.constant 0 : index
      %swap3A_320 = tpu.vector_load %arg11[%swap3A, %swap3A_319] {strides = array<i32>} : memref<128x128xf32, #tpu.memory_space<vmem>>, vector<1x16xf32>,
      %swap3A_321 = vector.shape_cast %swap3A_320 : vector<1x16xf32> to vector<16xf32>
      %swap3A_322 = vector.shape_cast %select_n3A_318 : vector<16xf32> to vector<1x16xf32>
      tpu.vector_store %arg11[%swap3A, %swap3A_319], %swap3A_322 {strides = array<i32>} : memref<128x128xf32, #tpu.memory_space<vmem>>, vector<1x16xf32>,
      %eq3A_323 = arith.cmpi eq, %add3A_33, %min3A_312 : vector<16xi32>
      %jit3A_324 = arith.constant 1.000000e+00 : f32
      %jit3A_325 = arith.constant 0.000000e+00 : f32
      %broadcast_in_dim3A_326 = vector.broadcast %jit3A_324 : f32 to vector<16xf32>
      %broadcast_in_dim3A_327 = vector.broadcast %jit3A_325 : f32 to vector<16xf32>
      %select_n3A_328 = arith.select %eq3A_323, %broadcast_in_dim3A_326, %broadcast_in_dim3A_327 : vector<16xi1>, vector<16xf32>
      %swap3A_329 = arith.index_cast %scan3A_97 : i32 to index
      %swap3A_330 = arith.constant 16 : index
      %swap3A_331 = tpu.vector_load %arg11[%swap3A_329, %swap3A_330] {strides = array<i32>} : memref<128x128xf32, #tpu.memory_space<vmem>>, vector<1x16xf32>,
      %swap3A_332 = vector.shape_cast %swap3A_331 : vector<1x16xf32> to vector<16xf32>
      %swap3A_333 = vector.shape_cast %select_n3A_328 : vector<16xf32> to vector<1x16xf32>
      tpu.vector_store %arg11[%swap3A_329, %swap3A_330], %swap3A_333 {strides = array<i32>} : memref<128x128xf32, #tpu.memory_space<vmem>>, vector<1x16xf32>,
      %eq3A_334 = arith.cmpi eq, %add3A_36, %min3A_312 : vector<16xi32>
      %jit3A_335 = arith.constant 1.000000e+00 : f32
      %jit3A_336 = arith.constant 0.000000e+00 : f32
      %broadcast_in_dim3A_337 = vector.broadcast %jit3A_335 : f32 to vector<16xf32>
      %broadcast_in_dim3A_338 = vector.broadcast %jit3A_336 : f32 to vector<16xf32>
      %select_n3A_339 = arith.select %eq3A_334, %broadcast_in_dim3A_337, %broadcast_in_dim3A_338 : vector<16xi1>, vector<16xf32>
      %swap3A_340 = arith.index_cast %scan3A_97 : i32 to index
      %swap3A_341 = arith.constant 32 : index
      %swap3A_342 = tpu.vector_load %arg11[%swap3A_340, %swap3A_341] {strides = array<i32>} : memref<128x128xf32, #tpu.memory_space<vmem>>, vector<1x16xf32>,
      %swap3A_343 = vector.shape_cast %swap3A_342 : vector<1x16xf32> to vector<16xf32>
      %swap3A_344 = vector.shape_cast %select_n3A_339 : vector<16xf32> to vector<1x16xf32>
      tpu.vector_store %arg11[%swap3A_340, %swap3A_341], %swap3A_344 {strides = array<i32>} : memref<128x128xf32, #tpu.memory_space<vmem>>, vector<1x16xf32>,
      %eq3A_345 = arith.cmpi eq, %add3A_39, %min3A_312 : vector<16xi32>
      %jit3A_346 = arith.constant 1.000000e+00 : f32
      %jit3A_347 = arith.constant 0.000000e+00 : f32
      %broadcast_in_dim3A_348 = vector.broadcast %jit3A_346 : f32 to vector<16xf32>
      %broadcast_in_dim3A_349 = vector.broadcast %jit3A_347 : f32 to vector<16xf32>
      %select_n3A_350 = arith.select %eq3A_345, %broadcast_in_dim3A_348, %broadcast_in_dim3A_349 : vector<16xi1>, vector<16xf32>
      %swap3A_351 = arith.index_cast %scan3A_97 : i32 to index
      %swap3A_352 = arith.constant 48 : index
      %swap3A_353 = tpu.vector_load %arg11[%swap3A_351, %swap3A_352] {strides = array<i32>} : memref<128x128xf32, #tpu.memory_space<vmem>>, vector<1x16xf32>,
      %swap3A_354 = vector.shape_cast %swap3A_353 : vector<1x16xf32> to vector<16xf32>
      %swap3A_355 = vector.shape_cast %select_n3A_350 : vector<16xf32> to vector<1x16xf32>
      tpu.vector_store %arg11[%swap3A_351, %swap3A_352], %swap3A_355 {strides = array<i32>} : memref<128x128xf32, #tpu.memory_space<vmem>>, vector<1x16xf32>,
      %eq3A_356 = arith.cmpi eq, %add3A_42, %min3A_312 : vector<16xi32>
      %jit3A_357 = arith.constant 1.000000e+00 : f32
      %jit3A_358 = arith.constant 0.000000e+00 : f32
      %broadcast_in_dim3A_359 = vector.broadcast %jit3A_357 : f32 to vector<16xf32>
      %broadcast_in_dim3A_360 = vector.broadcast %jit3A_358 : f32 to vector<16xf32>
      %select_n3A_361 = arith.select %eq3A_356, %broadcast_in_dim3A_359, %broadcast_in_dim3A_360 : vector<16xi1>, vector<16xf32>
      %swap3A_362 = arith.index_cast %scan3A_97 : i32 to index
      %swap3A_363 = arith.constant 64 : index
      %swap3A_364 = tpu.vector_load %arg11[%swap3A_362, %swap3A_363] {strides = array<i32>} : memref<128x128xf32, #tpu.memory_space<vmem>>, vector<1x16xf32>,
      %swap3A_365 = vector.shape_cast %swap3A_364 : vector<1x16xf32> to vector<16xf32>
      %swap3A_366 = vector.shape_cast %select_n3A_361 : vector<16xf32> to vector<1x16xf32>
      tpu.vector_store %arg11[%swap3A_362, %swap3A_363], %swap3A_366 {strides = array<i32>} : memref<128x128xf32, #tpu.memory_space<vmem>>, vector<1x16xf32>,
      %eq3A_367 = arith.cmpi eq, %add3A_45, %min3A_312 : vector<16xi32>
      %jit3A_368 = arith.constant 1.000000e+00 : f32
      %jit3A_369 = arith.constant 0.000000e+00 : f32
      %broadcast_in_dim3A_370 = vector.broadcast %jit3A_368 : f32 to vector<16xf32>
      %broadcast_in_dim3A_371 = vector.broadcast %jit3A_369 : f32 to vector<16xf32>
      %select_n3A_372 = arith.select %eq3A_367, %broadcast_in_dim3A_370, %broadcast_in_dim3A_371 : vector<16xi1>, vector<16xf32>
      %swap3A_373 = arith.index_cast %scan3A_97 : i32 to index
      %swap3A_374 = arith.constant 80 : index
      %swap3A_375 = tpu.vector_load %arg11[%swap3A_373, %swap3A_374] {strides = array<i32>} : memref<128x128xf32, #tpu.memory_space<vmem>>, vector<1x16xf32>,
      %swap3A_376 = vector.shape_cast %swap3A_375 : vector<1x16xf32> to vector<16xf32>
      %swap3A_377 = vector.shape_cast %select_n3A_372 : vector<16xf32> to vector<1x16xf32>
      tpu.vector_store %arg11[%swap3A_373, %swap3A_374], %swap3A_377 {strides = array<i32>} : memref<128x128xf32, #tpu.memory_space<vmem>>, vector<1x16xf32>,
      %eq3A_378 = arith.cmpi eq, %add3A_48, %min3A_312 : vector<16xi32>
      %jit3A_379 = arith.constant 1.000000e+00 : f32
      %jit3A_380 = arith.constant 0.000000e+00 : f32
      %broadcast_in_dim3A_381 = vector.broadcast %jit3A_379 : f32 to vector<16xf32>
      %broadcast_in_dim3A_382 = vector.broadcast %jit3A_380 : f32 to vector<16xf32>
      %select_n3A_383 = arith.select %eq3A_378, %broadcast_in_dim3A_381, %broadcast_in_dim3A_382 : vector<16xi1>, vector<16xf32>
      %swap3A_384 = arith.index_cast %scan3A_97 : i32 to index
      %swap3A_385 = arith.constant 96 : index
      %swap3A_386 = tpu.vector_load %arg11[%swap3A_384, %swap3A_385] {strides = array<i32>} : memref<128x128xf32, #tpu.memory_space<vmem>>, vector<1x16xf32>,
      %swap3A_387 = vector.shape_cast %swap3A_386 : vector<1x16xf32> to vector<16xf32>
      %swap3A_388 = vector.shape_cast %select_n3A_383 : vector<16xf32> to vector<1x16xf32>
      tpu.vector_store %arg11[%swap3A_384, %swap3A_385], %swap3A_388 {strides = array<i32>} : memref<128x128xf32, #tpu.memory_space<vmem>>, vector<1x16xf32>,
      %eq3A_389 = arith.cmpi eq, %add3A_51, %min3A_312 : vector<16xi32>
      %jit3A_390 = arith.constant 1.000000e+00 : f32
      %jit3A_391 = arith.constant 0.000000e+00 : f32
      %broadcast_in_dim3A_392 = vector.broadcast %jit3A_390 : f32 to vector<16xf32>
      %broadcast_in_dim3A_393 = vector.broadcast %jit3A_391 : f32 to vector<16xf32>
      %select_n3A_394 = arith.select %eq3A_389, %broadcast_in_dim3A_392, %broadcast_in_dim3A_393 : vector<16xi1>, vector<16xf32>
      %swap3A_395 = arith.index_cast %scan3A_97 : i32 to index
      %swap3A_396 = arith.constant 112 : index
      %swap3A_397 = tpu.vector_load %arg11[%swap3A_395, %swap3A_396] {strides = array<i32>} : memref<128x128xf32, #tpu.memory_space<vmem>>, vector<1x16xf32>,
      %swap3A_398 = vector.shape_cast %swap3A_397 : vector<1x16xf32> to vector<16xf32>
      %swap3A_399 = vector.shape_cast %select_n3A_394 : vector<16xf32> to vector<1x16xf32>
      tpu.vector_store %arg11[%swap3A_395, %swap3A_396], %swap3A_399 {strides = array<i32>} : memref<128x128xf32, #tpu.memory_space<vmem>>, vector<1x16xf32>,
    }
    %scan3A_68 = arith.constant 64 : i32
    %dma_start3A_69 = arith.constant 0 : i32
    %dma_start3A_70 = arith.constant 0 : i32
    %dma_start3A_71 = tpu.memref_slice %arg11[%dma_start3A_69, %dma_start3A_70] : memref<128x128xf32, #tpu.memory_space<vmem>> -> memref<64x128xf32, #tpu.memory_space<vmem>>
    %dma_start3A_72 = arith.constant 0 : i32
    %dma_start3A_73 = tpu.memref_slice %arg6[%mul3A_2, %dma_start3A_72] : memref<4096x128xf32, #tpu.memory_space<hbm>> -> memref<64x128xf32, #tpu.memory_space<hbm>>
    %dma_start3A_74 = arith.constant 0 : i32
    %dma_start3A_75 = tpu.memref_slice %arg6[%mul3A_2, %dma_start3A_74] : memref<4096x128xf32, #tpu.memory_space<hbm>> -> memref<64x128xf32, #tpu.memory_space<hbm>>
    %dma_start3A_76 = arith.constant 0 : i32
    %dma_start3A_77 = arith.constant 0 : i32
    %dma_start3A_78 = tpu.memref_slice %arg11[%dma_start3A_76, %dma_start3A_77] : memref<128x128xf32, #tpu.memory_space<vmem>> -> memref<64x128xf32, #tpu.memory_space<vmem>>
    tpu.enqueue_dma source(%dma_start3A_78 : memref<64x128xf32, #tpu.memory_space<vmem>>) target(%dma_start3A_75 : memref<64x128xf32, #tpu.memory_space<hbm>>) target_semaphore(%arg12 : memref<!tpu.dma_semaphore, #tpu.memory_space<semaphore_mem>>)
    %scan3A_79 = arith.constant 0 : i32
    %scan3A_80 = arith.constant 64 : i32
    %scan3A_81 = arith.constant 64 : i32
    %scan3A_82 = arith.addi %scan3A_80, %scan3A_81 : i32
    %scan3A_83 = arith.constant 1 : i32
    scf.for %scan3A_97 = %scan3A_80 to %scan3A_82 step %scan3A_83  : i32 {
      %get3A = arith.index_cast %scan3A_97 : i32 to index
      %get3A_98 = arith.constant 0 : index
      %get3A_99 = tpu.vector_load %arg8[%get3A, %get3A_98] {strides = array<i32>} : memref<128x128xf32, #tpu.memory_space<vmem>>, vector<1x16xf32>,
      %get3A_100 = vector.shape_cast %get3A_99 : vector<1x16xf32> to vector<16xf32>
      %get3A_101 = arith.index_cast %scan3A_97 : i32 to index
      %get3A_102 = arith.constant 0 : index
      %get3A_103 = tpu.vector_load %arg9[%get3A_101, %get3A_102] {strides = array<i32>} : memref<128x128xf32, #tpu.memory_space<vmem>>, vector<1x16xf32>,
      %get3A_104 = vector.shape_cast %get3A_103 : vector<1x16xf32> to vector<16xf32>
      %min3A = arith.minimumf %get3A_100, %get3A_104 : vector<16xf32>
      %get3A_105 = arith.index_cast %scan3A_97 : i32 to index
      %get3A_106 = arith.constant 0 : index
      %get3A_107 = tpu.vector_load %arg10[%get3A_105, %get3A_106] {strides = array<i32>} : memref<128x128xf32, #tpu.memory_space<vmem>>, vector<1x16xf32>,
      %get3A_108 = vector.shape_cast %get3A_107 : vector<1x16xf32> to vector<16xf32>
      %min3A_109 = arith.minimumf %min3A, %get3A_108 : vector<16xf32>
      %get3A_110 = arith.index_cast %scan3A_97 : i32 to index
      %get3A_111 = arith.constant 16 : index
      %get3A_112 = tpu.vector_load %arg8[%get3A_110, %get3A_111] {strides = array<i32>} : memref<128x128xf32, #tpu.memory_space<vmem>>, vector<1x16xf32>,
      %get3A_113 = vector.shape_cast %get3A_112 : vector<1x16xf32> to vector<16xf32>
      %get3A_114 = arith.index_cast %scan3A_97 : i32 to index
      %get3A_115 = arith.constant 16 : index
      %get3A_116 = tpu.vector_load %arg9[%get3A_114, %get3A_115] {strides = array<i32>} : memref<128x128xf32, #tpu.memory_space<vmem>>, vector<1x16xf32>,
      %get3A_117 = vector.shape_cast %get3A_116 : vector<1x16xf32> to vector<16xf32>
      %min3A_118 = arith.minimumf %get3A_113, %get3A_117 : vector<16xf32>
      %get3A_119 = arith.index_cast %scan3A_97 : i32 to index
      %get3A_120 = arith.constant 16 : index
      %get3A_121 = tpu.vector_load %arg10[%get3A_119, %get3A_120] {strides = array<i32>} : memref<128x128xf32, #tpu.memory_space<vmem>>, vector<1x16xf32>,
      %get3A_122 = vector.shape_cast %get3A_121 : vector<1x16xf32> to vector<16xf32>
      %min3A_123 = arith.minimumf %min3A_118, %get3A_122 : vector<16xf32>
      %get3A_124 = arith.index_cast %scan3A_97 : i32 to index
      %get3A_125 = arith.constant 32 : index
      %get3A_126 = tpu.vector_load %arg8[%get3A_124, %get3A_125] {strides = array<i32>} : memref<128x128xf32, #tpu.memory_space<vmem>>, vector<1x16xf32>,
      %get3A_127 = vector.shape_cast %get3A_126 : vector<1x16xf32> to vector<16xf32>
      %get3A_128 = arith.index_cast %scan3A_97 : i32 to index
      %get3A_129 = arith.constant 32 : index
      %get3A_130 = tpu.vector_load %arg9[%get3A_128, %get3A_129] {strides = array<i32>} : memref<128x128xf32, #tpu.memory_space<vmem>>, vector<1x16xf32>,
      %get3A_131 = vector.shape_cast %get3A_130 : vector<1x16xf32> to vector<16xf32>
      %min3A_132 = arith.minimumf %get3A_127, %get3A_131 : vector<16xf32>
      %get3A_133 = arith.index_cast %scan3A_97 : i32 to index
      %get3A_134 = arith.constant 32 : index
      %get3A_135 = tpu.vector_load %arg10[%get3A_133, %get3A_134] {strides = array<i32>} : memref<128x128xf32, #tpu.memory_space<vmem>>, vector<1x16xf32>,
      %get3A_136 = vector.shape_cast %get3A_135 : vector<1x16xf32> to vector<16xf32>
      %min3A_137 = arith.minimumf %min3A_132, %get3A_136 : vector<16xf32>
      %get3A_138 = arith.index_cast %scan3A_97 : i32 to index
      %get3A_139 = arith.constant 48 : index
      %get3A_140 = tpu.vector_load %arg8[%get3A_138, %get3A_139] {strides = array<i32>} : memref<128x128xf32, #tpu.memory_space<vmem>>, vector<1x16xf32>,
      %get3A_141 = vector.shape_cast %get3A_140 : vector<1x16xf32> to vector<16xf32>
      %get3A_142 = arith.index_cast %scan3A_97 : i32 to index
      %get3A_143 = arith.constant 48 : index
      %get3A_144 = tpu.vector_load %arg9[%get3A_142, %get3A_143] {strides = array<i32>} : memref<128x128xf32, #tpu.memory_space<vmem>>, vector<1x16xf32>,
      %get3A_145 = vector.shape_cast %get3A_144 : vector<1x16xf32> to vector<16xf32>
      %min3A_146 = arith.minimumf %get3A_141, %get3A_145 : vector<16xf32>
      %get3A_147 = arith.index_cast %scan3A_97 : i32 to index
      %get3A_148 = arith.constant 48 : index
      %get3A_149 = tpu.vector_load %arg10[%get3A_147, %get3A_148] {strides = array<i32>} : memref<128x128xf32, #tpu.memory_space<vmem>>, vector<1x16xf32>,
      %get3A_150 = vector.shape_cast %get3A_149 : vector<1x16xf32> to vector<16xf32>
      %min3A_151 = arith.minimumf %min3A_146, %get3A_150 : vector<16xf32>
      %get3A_152 = arith.index_cast %scan3A_97 : i32 to index
      %get3A_153 = arith.constant 64 : index
      %get3A_154 = tpu.vector_load %arg8[%get3A_152, %get3A_153] {strides = array<i32>} : memref<128x128xf32, #tpu.memory_space<vmem>>, vector<1x16xf32>,
      %get3A_155 = vector.shape_cast %get3A_154 : vector<1x16xf32> to vector<16xf32>
      %get3A_156 = arith.index_cast %scan3A_97 : i32 to index
      %get3A_157 = arith.constant 64 : index
      %get3A_158 = tpu.vector_load %arg9[%get3A_156, %get3A_157] {strides = array<i32>} : memref<128x128xf32, #tpu.memory_space<vmem>>, vector<1x16xf32>,
      %get3A_159 = vector.shape_cast %get3A_158 : vector<1x16xf32> to vector<16xf32>
      %min3A_160 = arith.minimumf %get3A_155, %get3A_159 : vector<16xf32>
      %get3A_161 = arith.index_cast %scan3A_97 : i32 to index
      %get3A_162 = arith.constant 64 : index
      %get3A_163 = tpu.vector_load %arg10[%get3A_161, %get3A_162] {strides = array<i32>} : memref<128x128xf32, #tpu.memory_space<vmem>>, vector<1x16xf32>,
      %get3A_164 = vector.shape_cast %get3A_163 : vector<1x16xf32> to vector<16xf32>
      %min3A_165 = arith.minimumf %min3A_160, %get3A_164 : vector<16xf32>
      %get3A_166 = arith.index_cast %scan3A_97 : i32 to index
      %get3A_167 = arith.constant 80 : index
      %get3A_168 = tpu.vector_load %arg8[%get3A_166, %get3A_167] {strides = array<i32>} : memref<128x128xf32, #tpu.memory_space<vmem>>, vector<1x16xf32>,
      %get3A_169 = vector.shape_cast %get3A_168 : vector<1x16xf32> to vector<16xf32>
      %get3A_170 = arith.index_cast %scan3A_97 : i32 to index
      %get3A_171 = arith.constant 80 : index
      %get3A_172 = tpu.vector_load %arg9[%get3A_170, %get3A_171] {strides = array<i32>} : memref<128x128xf32, #tpu.memory_space<vmem>>, vector<1x16xf32>,
      %get3A_173 = vector.shape_cast %get3A_172 : vector<1x16xf32> to vector<16xf32>
      %min3A_174 = arith.minimumf %get3A_169, %get3A_173 : vector<16xf32>
      %get3A_175 = arith.index_cast %scan3A_97 : i32 to index
      %get3A_176 = arith.constant 80 : index
      %get3A_177 = tpu.vector_load %arg10[%get3A_175, %get3A_176] {strides = array<i32>} : memref<128x128xf32, #tpu.memory_space<vmem>>, vector<1x16xf32>,
      %get3A_178 = vector.shape_cast %get3A_177 : vector<1x16xf32> to vector<16xf32>
      %min3A_179 = arith.minimumf %min3A_174, %get3A_178 : vector<16xf32>
      %get3A_180 = arith.index_cast %scan3A_97 : i32 to index
      %get3A_181 = arith.constant 96 : index
      %get3A_182 = tpu.vector_load %arg8[%get3A_180, %get3A_181] {strides = array<i32>} : memref<128x128xf32, #tpu.memory_space<vmem>>, vector<1x16xf32>,
      %get3A_183 = vector.shape_cast %get3A_182 : vector<1x16xf32> to vector<16xf32>
      %get3A_184 = arith.index_cast %scan3A_97 : i32 to index
      %get3A_185 = arith.constant 96 : index
      %get3A_186 = tpu.vector_load %arg9[%get3A_184, %get3A_185] {strides = array<i32>} : memref<128x128xf32, #tpu.memory_space<vmem>>, vector<1x16xf32>,
      %get3A_187 = vector.shape_cast %get3A_186 : vector<1x16xf32> to vector<16xf32>
      %min3A_188 = arith.minimumf %get3A_183, %get3A_187 : vector<16xf32>
      %get3A_189 = arith.index_cast %scan3A_97 : i32 to index
      %get3A_190 = arith.constant 96 : index
      %get3A_191 = tpu.vector_load %arg10[%get3A_189, %get3A_190] {strides = array<i32>} : memref<128x128xf32, #tpu.memory_space<vmem>>, vector<1x16xf32>,
      %get3A_192 = vector.shape_cast %get3A_191 : vector<1x16xf32> to vector<16xf32>
      %min3A_193 = arith.minimumf %min3A_188, %get3A_192 : vector<16xf32>
      %get3A_194 = arith.index_cast %scan3A_97 : i32 to index
      %get3A_195 = arith.constant 112 : index
      %get3A_196 = tpu.vector_load %arg8[%get3A_194, %get3A_195] {strides = array<i32>} : memref<128x128xf32, #tpu.memory_space<vmem>>, vector<1x16xf32>,
      %get3A_197 = vector.shape_cast %get3A_196 : vector<1x16xf32> to vector<16xf32>
      %get3A_198 = arith.index_cast %scan3A_97 : i32 to index
      %get3A_199 = arith.constant 112 : index
      %get3A_200 = tpu.vector_load %arg9[%get3A_198, %get3A_199] {strides = array<i32>} : memref<128x128xf32, #tpu.memory_space<vmem>>, vector<1x16xf32>,
      %get3A_201 = vector.shape_cast %get3A_200 : vector<1x16xf32> to vector<16xf32>
      %min3A_202 = arith.minimumf %get3A_197, %get3A_201 : vector<16xf32>
      %get3A_203 = arith.index_cast %scan3A_97 : i32 to index
      %get3A_204 = arith.constant 112 : index
      %get3A_205 = tpu.vector_load %arg10[%get3A_203, %get3A_204] {strides = array<i32>} : memref<128x128xf32, #tpu.memory_space<vmem>>, vector<1x16xf32>,
      %get3A_206 = vector.shape_cast %get3A_205 : vector<1x16xf32> to vector<16xf32>
      %min3A_207 = arith.minimumf %min3A_202, %get3A_206 : vector<16xf32>
      %gt3A = arith.cmpf ogt, %min3A_123, %min3A_109 : vector<16xf32>
      %select_n3A = arith.select %gt3A, %min3A_123, %min3A_109 : vector<16xi1>, vector<16xf32>
      %select_n3A_208 = arith.select %gt3A, %add3A_33, %add3A_30 : vector<16xi1>, vector<16xi32>
      %gt3A_209 = arith.cmpf ogt, %min3A_151, %min3A_137 : vector<16xf32>
      %select_n3A_210 = arith.select %gt3A_209, %min3A_151, %min3A_137 : vector<16xi1>, vector<16xf32>
      %select_n3A_211 = arith.select %gt3A_209, %add3A_39, %add3A_36 : vector<16xi1>, vector<16xi32>
      %gt3A_212 = arith.cmpf ogt, %min3A_179, %min3A_165 : vector<16xf32>
      %select_n3A_213 = arith.select %gt3A_212, %min3A_179, %min3A_165 : vector<16xi1>, vector<16xf32>
      %select_n3A_214 = arith.select %gt3A_212, %add3A_45, %add3A_42 : vector<16xi1>, vector<16xi32>
      %gt3A_215 = arith.cmpf ogt, %min3A_207, %min3A_193 : vector<16xf32>
      %select_n3A_216 = arith.select %gt3A_215, %min3A_207, %min3A_193 : vector<16xi1>, vector<16xf32>
      %select_n3A_217 = arith.select %gt3A_215, %add3A_51, %add3A_48 : vector<16xi1>, vector<16xi32>
      %gt3A_218 = arith.cmpf ogt, %select_n3A_210, %select_n3A : vector<16xf32>
      %select_n3A_219 = arith.select %gt3A_218, %select_n3A_210, %select_n3A : vector<16xi1>, vector<16xf32>
      %select_n3A_220 = arith.select %gt3A_218, %select_n3A_211, %select_n3A_208 : vector<16xi1>, vector<16xi32>
      %gt3A_221 = arith.cmpf ogt, %select_n3A_216, %select_n3A_213 : vector<16xf32>
      %select_n3A_222 = arith.select %gt3A_221, %select_n3A_216, %select_n3A_213 : vector<16xi1>, vector<16xf32>
      %select_n3A_223 = arith.select %gt3A_221, %select_n3A_217, %select_n3A_214 : vector<16xi1>, vector<16xi32>
      %gt3A_224 = arith.cmpf ogt, %select_n3A_222, %select_n3A_219 : vector<16xf32>
      %select_n3A_225 = arith.select %gt3A_224, %select_n3A_222, %select_n3A_219 : vector<16xi1>, vector<16xf32>
      %select_n3A_226 = arith.select %gt3A_224, %select_n3A_223, %select_n3A_220 : vector<16xi1>, vector<16xi32>
      %lt3A = arith.constant 0 : i32
      %lt3A_227 = vector.broadcast %lt3A : i32 to vector<16xi32>
      %lt3A_228 = arith.cmpi slt, %xor3A_53, %lt3A_227 : vector<16xi32>
      %add3A_229 = arith.constant 16 : i32
      %add3A_230 = vector.broadcast %add3A_229 : i32 to vector<16xi32>
      %add3A_231 = arith.addi %xor3A_53, %add3A_230 : vector<16xi32>
      %select_n3A_232 = arith.select %lt3A_228, %add3A_231, %xor3A_53 : vector<16xi1>, vector<16xi32>
      %broadcast_in_dim3A = vector.shape_cast %select_n3A_232 : vector<16xi32> to vector<16x1xi32>
      %gather3A = vector.shape_cast %broadcast_in_dim3A : vector<16x1xi32> to vector<16xi32>
      %gather3A_233 = tpu.dynamic_gather %select_n3A_225[%gather3A] in [0] : vector<16xf32>, vector<16xi32> -> vector<16xf32>
      %max3A = arith.maximumf %select_n3A_225, %gather3A_233 : vector<16xf32>
      %lt3A_234 = arith.constant 0 : i32
      %lt3A_235 = vector.broadcast %lt3A_234 : i32 to vector<16xi32>
      %lt3A_236 = arith.cmpi slt, %xor3A_56, %lt3A_235 : vector<16xi32>
      %add3A_237 = arith.constant 16 : i32
      %add3A_238 = vector.broadcast %add3A_237 : i32 to vector<16xi32>
      %add3A_239 = arith.addi %xor3A_56, %add3A_238 : vector<16xi32>
      %select_n3A_240 = arith.select %lt3A_236, %add3A_239, %xor3A_56 : vector<16xi1>, vector<16xi32>
      %broadcast_in_dim3A_241 = vector.shape_cast %select_n3A_240 : vector<16xi32> to vector<16x1xi32>
      %gather3A_242 = vector.shape_cast %broadcast_in_dim3A_241 : vector<16x1xi32> to vector<16xi32>
      %gather3A_243 = tpu.dynamic_gather %max3A[%gather3A_242] in [0] : vector<16xf32>, vector<16xi32> -> vector<16xf32>
      %max3A_244 = arith.maximumf %max3A, %gather3A_243 : vector<16xf32>
      %lt3A_245 = arith.constant 0 : i32
      %lt3A_246 = vector.broadcast %lt3A_245 : i32 to vector<16xi32>
      %lt3A_247 = arith.cmpi slt, %xor3A_59, %lt3A_246 : vector<16xi32>
      %add3A_248 = arith.constant 16 : i32
      %add3A_249 = vector.broadcast %add3A_248 : i32 to vector<16xi32>
      %add3A_250 = arith.addi %xor3A_59, %add3A_249 : vector<16xi32>
      %select_n3A_251 = arith.select %lt3A_247, %add3A_250, %xor3A_59 : vector<16xi1>, vector<16xi32>
      %broadcast_in_dim3A_252 = vector.shape_cast %select_n3A_251 : vector<16xi32> to vector<16x1xi32>
      %gather3A_253 = vector.shape_cast %broadcast_in_dim3A_252 : vector<16x1xi32> to vector<16xi32>
      %gather3A_254 = tpu.dynamic_gather %max3A_244[%gather3A_253] in [0] : vector<16xf32>, vector<16xi32> -> vector<16xf32>
      %max3A_255 = arith.maximumf %max3A_244, %gather3A_254 : vector<16xf32>
      %lt3A_256 = arith.constant 0 : i32
      %lt3A_257 = vector.broadcast %lt3A_256 : i32 to vector<16xi32>
      %lt3A_258 = arith.cmpi slt, %xor3A_62, %lt3A_257 : vector<16xi32>
      %add3A_259 = arith.constant 16 : i32
      %add3A_260 = vector.broadcast %add3A_259 : i32 to vector<16xi32>
      %add3A_261 = arith.addi %xor3A_62, %add3A_260 : vector<16xi32>
      %select_n3A_262 = arith.select %lt3A_258, %add3A_261, %xor3A_62 : vector<16xi1>, vector<16xi32>
      %broadcast_in_dim3A_263 = vector.shape_cast %select_n3A_262 : vector<16xi32> to vector<16x1xi32>
      %gather3A_264 = vector.shape_cast %broadcast_in_dim3A_263 : vector<16x1xi32> to vector<16xi32>
      %gather3A_265 = tpu.dynamic_gather %max3A_255[%gather3A_264] in [0] : vector<16xf32>, vector<16xi32> -> vector<16xf32>
      %max3A_266 = arith.maximumf %max3A_255, %gather3A_265 : vector<16xf32>
      %eq3A = arith.cmpf oeq, %select_n3A_225, %max3A_266 : vector<16xf32>
      %jit3A = arith.constant 128 : i32
      %broadcast_in_dim3A_267 = vector.broadcast %jit3A : i32 to vector<16xi32>
      %select_n3A_268 = arith.select %eq3A, %select_n3A_226, %broadcast_in_dim3A_267 : vector<16xi1>, vector<16xi32>
      %lt3A_269 = arith.constant 0 : i32
      %lt3A_270 = vector.broadcast %lt3A_269 : i32 to vector<16xi32>
      %lt3A_271 = arith.cmpi slt, %xor3A_53, %lt3A_270 : vector<16xi32>
      %add3A_272 = arith.constant 16 : i32
      %add3A_273 = vector.broadcast %add3A_272 : i32 to vector<16xi32>
      %add3A_274 = arith.addi %xor3A_53, %add3A_273 : vector<16xi32>
      %select_n3A_275 = arith.select %lt3A_271, %add3A_274, %xor3A_53 : vector<16xi1>, vector<16xi32>
      %broadcast_in_dim3A_276 = vector.shape_cast %select_n3A_275 : vector<16xi32> to vector<16x1xi32>
      %gather3A_277 = vector.shape_cast %broadcast_in_dim3A_276 : vector<16x1xi32> to vector<16xi32>
      %gather3A_278 = tpu.dynamic_gather %select_n3A_268[%gather3A_277] in [0] : vector<16xi32>, vector<16xi32> -> vector<16xi32>
      %min3A_279 = arith.minsi %select_n3A_268, %gather3A_278 : vector<16xi32>
      %lt3A_280 = arith.constant 0 : i32
      %lt3A_281 = vector.broadcast %lt3A_280 : i32 to vector<16xi32>
      %lt3A_282 = arith.cmpi slt, %xor3A_56, %lt3A_281 : vector<16xi32>
      %add3A_283 = arith.constant 16 : i32
      %add3A_284 = vector.broadcast %add3A_283 : i32 to vector<16xi32>
      %add3A_285 = arith.addi %xor3A_56, %add3A_284 : vector<16xi32>
      %select_n3A_286 = arith.select %lt3A_282, %add3A_285, %xor3A_56 : vector<16xi1>, vector<16xi32>
      %broadcast_in_dim3A_287 = vector.shape_cast %select_n3A_286 : vector<16xi32> to vector<16x1xi32>
      %gather3A_288 = vector.shape_cast %broadcast_in_dim3A_287 : vector<16x1xi32> to vector<16xi32>
      %gather3A_289 = tpu.dynamic_gather %min3A_279[%gather3A_288] in [0] : vector<16xi32>, vector<16xi32> -> vector<16xi32>
      %min3A_290 = arith.minsi %min3A_279, %gather3A_289 : vector<16xi32>
      %lt3A_291 = arith.constant 0 : i32
      %lt3A_292 = vector.broadcast %lt3A_291 : i32 to vector<16xi32>
      %lt3A_293 = arith.cmpi slt, %xor3A_59, %lt3A_292 : vector<16xi32>
      %add3A_294 = arith.constant 16 : i32
      %add3A_295 = vector.broadcast %add3A_294 : i32 to vector<16xi32>
      %add3A_296 = arith.addi %xor3A_59, %add3A_295 : vector<16xi32>
      %select_n3A_297 = arith.select %lt3A_293, %add3A_296, %xor3A_59 : vector<16xi1>, vector<16xi32>
      %broadcast_in_dim3A_298 = vector.shape_cast %select_n3A_297 : vector<16xi32> to vector<16x1xi32>
      %gather3A_299 = vector.shape_cast %broadcast_in_dim3A_298 : vector<16x1xi32> to vector<16xi32>
      %gather3A_300 = tpu.dynamic_gather %min3A_290[%gather3A_299] in [0] : vector<16xi32>, vector<16xi32> -> vector<16xi32>
      %min3A_301 = arith.minsi %min3A_290, %gather3A_300 : vector<16xi32>
      %lt3A_302 = arith.constant 0 : i32
      %lt3A_303 = vector.broadcast %lt3A_302 : i32 to vector<16xi32>
      %lt3A_304 = arith.cmpi slt, %xor3A_62, %lt3A_303 : vector<16xi32>
      %add3A_305 = arith.constant 16 : i32
      %add3A_306 = vector.broadcast %add3A_305 : i32 to vector<16xi32>
      %add3A_307 = arith.addi %xor3A_62, %add3A_306 : vector<16xi32>
      %select_n3A_308 = arith.select %lt3A_304, %add3A_307, %xor3A_62 : vector<16xi1>, vector<16xi32>
      %broadcast_in_dim3A_309 = vector.shape_cast %select_n3A_308 : vector<16xi32> to vector<16x1xi32>
      %gather3A_310 = vector.shape_cast %broadcast_in_dim3A_309 : vector<16x1xi32> to vector<16xi32>
      %gather3A_311 = tpu.dynamic_gather %min3A_301[%gather3A_310] in [0] : vector<16xi32>, vector<16xi32> -> vector<16xi32>
      %min3A_312 = arith.minsi %min3A_301, %gather3A_311 : vector<16xi32>
      %eq3A_313 = arith.cmpi eq, %add3A_30, %min3A_312 : vector<16xi32>
      %jit3A_314 = arith.constant 1.000000e+00 : f32
      %jit3A_315 = arith.constant 0.000000e+00 : f32
      %broadcast_in_dim3A_316 = vector.broadcast %jit3A_314 : f32 to vector<16xf32>
      %broadcast_in_dim3A_317 = vector.broadcast %jit3A_315 : f32 to vector<16xf32>
      %select_n3A_318 = arith.select %eq3A_313, %broadcast_in_dim3A_316, %broadcast_in_dim3A_317 : vector<16xi1>, vector<16xf32>
      %swap3A = arith.index_cast %scan3A_97 : i32 to index
      %swap3A_319 = arith.constant 0 : index
      %swap3A_320 = tpu.vector_load %arg11[%swap3A, %swap3A_319] {strides = array<i32>} : memref<128x128xf32, #tpu.memory_space<vmem>>, vector<1x16xf32>,
      %swap3A_321 = vector.shape_cast %swap3A_320 : vector<1x16xf32> to vector<16xf32>
      %swap3A_322 = vector.shape_cast %select_n3A_318 : vector<16xf32> to vector<1x16xf32>
      tpu.vector_store %arg11[%swap3A, %swap3A_319], %swap3A_322 {strides = array<i32>} : memref<128x128xf32, #tpu.memory_space<vmem>>, vector<1x16xf32>,
      %eq3A_323 = arith.cmpi eq, %add3A_33, %min3A_312 : vector<16xi32>
      %jit3A_324 = arith.constant 1.000000e+00 : f32
      %jit3A_325 = arith.constant 0.000000e+00 : f32
      %broadcast_in_dim3A_326 = vector.broadcast %jit3A_324 : f32 to vector<16xf32>
      %broadcast_in_dim3A_327 = vector.broadcast %jit3A_325 : f32 to vector<16xf32>
      %select_n3A_328 = arith.select %eq3A_323, %broadcast_in_dim3A_326, %broadcast_in_dim3A_327 : vector<16xi1>, vector<16xf32>
      %swap3A_329 = arith.index_cast %scan3A_97 : i32 to index
      %swap3A_330 = arith.constant 16 : index
      %swap3A_331 = tpu.vector_load %arg11[%swap3A_329, %swap3A_330] {strides = array<i32>} : memref<128x128xf32, #tpu.memory_space<vmem>>, vector<1x16xf32>,
      %swap3A_332 = vector.shape_cast %swap3A_331 : vector<1x16xf32> to vector<16xf32>
      %swap3A_333 = vector.shape_cast %select_n3A_328 : vector<16xf32> to vector<1x16xf32>
      tpu.vector_store %arg11[%swap3A_329, %swap3A_330], %swap3A_333 {strides = array<i32>} : memref<128x128xf32, #tpu.memory_space<vmem>>, vector<1x16xf32>,
      %eq3A_334 = arith.cmpi eq, %add3A_36, %min3A_312 : vector<16xi32>
      %jit3A_335 = arith.constant 1.000000e+00 : f32
      %jit3A_336 = arith.constant 0.000000e+00 : f32
      %broadcast_in_dim3A_337 = vector.broadcast %jit3A_335 : f32 to vector<16xf32>
      %broadcast_in_dim3A_338 = vector.broadcast %jit3A_336 : f32 to vector<16xf32>
      %select_n3A_339 = arith.select %eq3A_334, %broadcast_in_dim3A_337, %broadcast_in_dim3A_338 : vector<16xi1>, vector<16xf32>
      %swap3A_340 = arith.index_cast %scan3A_97 : i32 to index
      %swap3A_341 = arith.constant 32 : index
      %swap3A_342 = tpu.vector_load %arg11[%swap3A_340, %swap3A_341] {strides = array<i32>} : memref<128x128xf32, #tpu.memory_space<vmem>>, vector<1x16xf32>,
      %swap3A_343 = vector.shape_cast %swap3A_342 : vector<1x16xf32> to vector<16xf32>
      %swap3A_344 = vector.shape_cast %select_n3A_339 : vector<16xf32> to vector<1x16xf32>
      tpu.vector_store %arg11[%swap3A_340, %swap3A_341], %swap3A_344 {strides = array<i32>} : memref<128x128xf32, #tpu.memory_space<vmem>>, vector<1x16xf32>,
      %eq3A_345 = arith.cmpi eq, %add3A_39, %min3A_312 : vector<16xi32>
      %jit3A_346 = arith.constant 1.000000e+00 : f32
      %jit3A_347 = arith.constant 0.000000e+00 : f32
      %broadcast_in_dim3A_348 = vector.broadcast %jit3A_346 : f32 to vector<16xf32>
      %broadcast_in_dim3A_349 = vector.broadcast %jit3A_347 : f32 to vector<16xf32>
      %select_n3A_350 = arith.select %eq3A_345, %broadcast_in_dim3A_348, %broadcast_in_dim3A_349 : vector<16xi1>, vector<16xf32>
      %swap3A_351 = arith.index_cast %scan3A_97 : i32 to index
      %swap3A_352 = arith.constant 48 : index
      %swap3A_353 = tpu.vector_load %arg11[%swap3A_351, %swap3A_352] {strides = array<i32>} : memref<128x128xf32, #tpu.memory_space<vmem>>, vector<1x16xf32>,
      %swap3A_354 = vector.shape_cast %swap3A_353 : vector<1x16xf32> to vector<16xf32>
      %swap3A_355 = vector.shape_cast %select_n3A_350 : vector<16xf32> to vector<1x16xf32>
      tpu.vector_store %arg11[%swap3A_351, %swap3A_352], %swap3A_355 {strides = array<i32>} : memref<128x128xf32, #tpu.memory_space<vmem>>, vector<1x16xf32>,
      %eq3A_356 = arith.cmpi eq, %add3A_42, %min3A_312 : vector<16xi32>
      %jit3A_357 = arith.constant 1.000000e+00 : f32
      %jit3A_358 = arith.constant 0.000000e+00 : f32
      %broadcast_in_dim3A_359 = vector.broadcast %jit3A_357 : f32 to vector<16xf32>
      %broadcast_in_dim3A_360 = vector.broadcast %jit3A_358 : f32 to vector<16xf32>
      %select_n3A_361 = arith.select %eq3A_356, %broadcast_in_dim3A_359, %broadcast_in_dim3A_360 : vector<16xi1>, vector<16xf32>
      %swap3A_362 = arith.index_cast %scan3A_97 : i32 to index
      %swap3A_363 = arith.constant 64 : index
      %swap3A_364 = tpu.vector_load %arg11[%swap3A_362, %swap3A_363] {strides = array<i32>} : memref<128x128xf32, #tpu.memory_space<vmem>>, vector<1x16xf32>,
      %swap3A_365 = vector.shape_cast %swap3A_364 : vector<1x16xf32> to vector<16xf32>
      %swap3A_366 = vector.shape_cast %select_n3A_361 : vector<16xf32> to vector<1x16xf32>
      tpu.vector_store %arg11[%swap3A_362, %swap3A_363], %swap3A_366 {strides = array<i32>} : memref<128x128xf32, #tpu.memory_space<vmem>>, vector<1x16xf32>,
      %eq3A_367 = arith.cmpi eq, %add3A_45, %min3A_312 : vector<16xi32>
      %jit3A_368 = arith.constant 1.000000e+00 : f32
      %jit3A_369 = arith.constant 0.000000e+00 : f32
      %broadcast_in_dim3A_370 = vector.broadcast %jit3A_368 : f32 to vector<16xf32>
      %broadcast_in_dim3A_371 = vector.broadcast %jit3A_369 : f32 to vector<16xf32>
      %select_n3A_372 = arith.select %eq3A_367, %broadcast_in_dim3A_370, %broadcast_in_dim3A_371 : vector<16xi1>, vector<16xf32>
      %swap3A_373 = arith.index_cast %scan3A_97 : i32 to index
      %swap3A_374 = arith.constant 80 : index
      %swap3A_375 = tpu.vector_load %arg11[%swap3A_373, %swap3A_374] {strides = array<i32>} : memref<128x128xf32, #tpu.memory_space<vmem>>, vector<1x16xf32>,
      %swap3A_376 = vector.shape_cast %swap3A_375 : vector<1x16xf32> to vector<16xf32>
      %swap3A_377 = vector.shape_cast %select_n3A_372 : vector<16xf32> to vector<1x16xf32>
      tpu.vector_store %arg11[%swap3A_373, %swap3A_374], %swap3A_377 {strides = array<i32>} : memref<128x128xf32, #tpu.memory_space<vmem>>, vector<1x16xf32>,
      %eq3A_378 = arith.cmpi eq, %add3A_48, %min3A_312 : vector<16xi32>
      %jit3A_379 = arith.constant 1.000000e+00 : f32
      %jit3A_380 = arith.constant 0.000000e+00 : f32
      %broadcast_in_dim3A_381 = vector.broadcast %jit3A_379 : f32 to vector<16xf32>
      %broadcast_in_dim3A_382 = vector.broadcast %jit3A_380 : f32 to vector<16xf32>
      %select_n3A_383 = arith.select %eq3A_378, %broadcast_in_dim3A_381, %broadcast_in_dim3A_382 : vector<16xi1>, vector<16xf32>
      %swap3A_384 = arith.index_cast %scan3A_97 : i32 to index
      %swap3A_385 = arith.constant 96 : index
      %swap3A_386 = tpu.vector_load %arg11[%swap3A_384, %swap3A_385] {strides = array<i32>} : memref<128x128xf32, #tpu.memory_space<vmem>>, vector<1x16xf32>,
      %swap3A_387 = vector.shape_cast %swap3A_386 : vector<1x16xf32> to vector<16xf32>
      %swap3A_388 = vector.shape_cast %select_n3A_383 : vector<16xf32> to vector<1x16xf32>
      tpu.vector_store %arg11[%swap3A_384, %swap3A_385], %swap3A_388 {strides = array<i32>} : memref<128x128xf32, #tpu.memory_space<vmem>>, vector<1x16xf32>,
      %eq3A_389 = arith.cmpi eq, %add3A_51, %min3A_312 : vector<16xi32>
      %jit3A_390 = arith.constant 1.000000e+00 : f32
      %jit3A_391 = arith.constant 0.000000e+00 : f32
      %broadcast_in_dim3A_392 = vector.broadcast %jit3A_390 : f32 to vector<16xf32>
      %broadcast_in_dim3A_393 = vector.broadcast %jit3A_391 : f32 to vector<16xf32>
      %select_n3A_394 = arith.select %eq3A_389, %broadcast_in_dim3A_392, %broadcast_in_dim3A_393 : vector<16xi1>, vector<16xf32>
      %swap3A_395 = arith.index_cast %scan3A_97 : i32 to index
      %swap3A_396 = arith.constant 112 : index
      %swap3A_397 = tpu.vector_load %arg11[%swap3A_395, %swap3A_396] {strides = array<i32>} : memref<128x128xf32, #tpu.memory_space<vmem>>, vector<1x16xf32>,
      %swap3A_398 = vector.shape_cast %swap3A_397 : vector<1x16xf32> to vector<16xf32>
      %swap3A_399 = vector.shape_cast %select_n3A_394 : vector<16xf32> to vector<1x16xf32>
      tpu.vector_store %arg11[%swap3A_395, %swap3A_396], %swap3A_399 {strides = array<i32>} : memref<128x128xf32, #tpu.memory_space<vmem>>, vector<1x16xf32>,
    }
    %scan3A_84 = arith.constant 64 : i32
    %dma_wait3A_85 = arith.constant 0 : i32
    %dma_wait3A_86 = arith.constant 0 : i32
    %dma_wait3A_87 = tpu.memref_slice %arg11[%dma_wait3A_85, %dma_wait3A_86] : memref<128x128xf32, #tpu.memory_space<vmem>> -> memref<64x128xf32, #tpu.memory_space<vmem>>
    %dma_wait3A_88 = arith.constant 0 : i32
    %dma_wait3A_89 = tpu.memref_slice %arg6[%mul3A_2, %dma_wait3A_88] : memref<4096x128xf32, #tpu.memory_space<hbm>> -> memref<64x128xf32, #tpu.memory_space<hbm>>
    %dma_wait3A_90 = arith.constant 0 : i32
    %dma_wait3A_91 = tpu.memref_slice %arg6[%mul3A_2, %dma_wait3A_90] : memref<4096x128xf32, #tpu.memory_space<hbm>> -> memref<64x128xf32, #tpu.memory_space<hbm>>
    %dma_wait3A_92 = arith.constant 0 : i32
    %dma_wait3A_93 = arith.constant 0 : i32
    %dma_wait3A_94 = tpu.memref_slice %arg11[%dma_wait3A_92, %dma_wait3A_93] : memref<128x128xf32, #tpu.memory_space<vmem>> -> memref<64x128xf32, #tpu.memory_space<vmem>>
    tpu.wait_dma2 semaphore(%arg12 : memref<!tpu.dma_semaphore, #tpu.memory_space<semaphore_mem>>) src(%dma_wait3A_94 : memref<64x128xf32, #tpu.memory_space<vmem>>) dst(%dma_wait3A_91 : memref<64x128xf32, #tpu.memory_space<hbm>>)
    %add3A_95 = arith.constant 64 : i32
    %add3A_96 = arith.addi %mul3A_2, %add3A_95 : i32
    "tpu.region"() ({
      %run_scoped3A = tpu.sem_alloc : memref<!tpu.dma_semaphore, #tpu.memory_space<semaphore_mem>>
      %dma_start3A_97 = arith.constant 64 : i32
      %dma_start3A_98 = arith.constant 0 : i32
      %dma_start3A_99 = tpu.memref_slice %arg11[%dma_start3A_97, %dma_start3A_98] : memref<128x128xf32, #tpu.memory_space<vmem>> -> memref<64x128xf32, #tpu.memory_space<vmem>>
      %dma_start3A_100 = arith.constant 0 : i32
      %dma_start3A_101 = tpu.memref_slice %arg6[%add3A_96, %dma_start3A_100] : memref<4096x128xf32, #tpu.memory_space<hbm>> -> memref<64x128xf32, #tpu.memory_space<hbm>>
      %dma_start3A_102 = arith.constant 0 : i32
      %dma_start3A_103 = tpu.memref_slice %arg6[%add3A_96, %dma_start3A_102] : memref<4096x128xf32, #tpu.memory_space<hbm>> -> memref<64x128xf32, #tpu.memory_space<hbm>>
      %dma_start3A_104 = arith.constant 64 : i32
      %dma_start3A_105 = arith.constant 0 : i32
      %dma_start3A_106 = tpu.memref_slice %arg11[%dma_start3A_104, %dma_start3A_105] : memref<128x128xf32, #tpu.memory_space<vmem>> -> memref<64x128xf32, #tpu.memory_space<vmem>>
      tpu.enqueue_dma source(%dma_start3A_106 : memref<64x128xf32, #tpu.memory_space<vmem>>) target(%dma_start3A_103 : memref<64x128xf32, #tpu.memory_space<hbm>>) target_semaphore(%run_scoped3A : memref<!tpu.dma_semaphore, #tpu.memory_space<semaphore_mem>>)
      %dma_wait3A_107 = arith.constant 64 : i32
      %dma_wait3A_108 = arith.constant 0 : i32
      %dma_wait3A_109 = tpu.memref_slice %arg11[%dma_wait3A_107, %dma_wait3A_108] : memref<128x128xf32, #tpu.memory_space<vmem>> -> memref<64x128xf32, #tpu.memory_space<vmem>>
      %dma_wait3A_110 = arith.constant 0 : i32
      %dma_wait3A_111 = tpu.memref_slice %arg6[%add3A_96, %dma_wait3A_110] : memref<4096x128xf32, #tpu.memory_space<hbm>> -> memref<64x128xf32, #tpu.memory_space<hbm>>
      %dma_wait3A_112 = arith.constant 0 : i32
      %dma_wait3A_113 = tpu.memref_slice %arg6[%add3A_96, %dma_wait3A_112] : memref<4096x128xf32, #tpu.memory_space<hbm>> -> memref<64x128xf32, #tpu.memory_space<hbm>>
      %dma_wait3A_114 = arith.constant 64 : i32
      %dma_wait3A_115 = arith.constant 0 : i32
      %dma_wait3A_116 = tpu.memref_slice %arg11[%dma_wait3A_114, %dma_wait3A_115] : memref<128x128xf32, #tpu.memory_space<vmem>> -> memref<64x128xf32, #tpu.memory_space<vmem>>
      tpu.wait_dma2 semaphore(%run_scoped3A : memref<!tpu.dma_semaphore, #tpu.memory_space<semaphore_mem>>) src(%dma_wait3A_116 : memref<64x128xf32, #tpu.memory_space<vmem>>) dst(%dma_wait3A_113 : memref<64x128xf32, #tpu.memory_space<hbm>>)
      tpu.yield
    }) : () -> ()
    return
  }
}

</mosaic_0001>

<sc_bundles>
// kernel: kernel.3.cloned.1.call-start
scs
__scs_entry_jumppad:
0x0: {  	(pc) =	sbr.rel $0x88, $3  }
0x1: {  	(tag) =	ssettag $0x0;
	lr =	simm.s32 $0x1  }
0x2: {  	[smem:$0x3F9D] =	sst lr;
	_ =	strace $0xD0000000  }
0x3: {  	_ = 	snop  }
0x4: {  	_ = 	snop  }
0x5: {  	_ = 	snop  }
0x6: {  	_ = 	snop  }
0x7: {  	_ = 	snop  }
__scs_overlays_trampoline_lowered:
0x8: {  	[smem:$0x3FAC] =	sst s0  }
0x9: {  	[smem:$0x3FAD] =	sst s1  }
0xa: {  	[smem:$0x3FAE] =	sst s2  }
0xb: {  	[smem:$0x3FAF] =	sst s3  }
0xc: {  	[smem:$0x3FB0] =	sst s4  }
0xd: {  	[smem:$0x3FB1] =	sst s5  }
0xe: {  	[smem:$0x3FB2] =	sst s6  }
0xf: {  	[smem:$0x3FB3] =	sst s7  }
0x10: {  	[smem:$0x3FB4] =	sst s8  }
0x11: {  	[smem:$0x3FB5] =	sst s9;
	s0 =	simm.s32 @!p0 $0x0  }
0x12: {  	s1 =	sld [smem:$0x3F9B];
	s0 =	simm.s32 @p0 $0x1  }
0x13: {  	[smem:$0x3FB6] =	sst s0;
	s0 =	simm.s32 @!p1 $0x0  }
0x14: {  	s2 =	sld [smem:$0x3F9A];
	s0 =	simm.s32 @p1 $0x1  }
0x15: {  	[smem:$0x3FB7] =	sst s0;
	s0 =	simm.s32 @!p2 $0x0  }
0x16: {  	s3 =	sld [smem:$0x3FDB];
	s0 =	simm.s32 @p2 $0x1  }
0x17: {  	s4 =	simm.s32 $0x1BF5;
	[smem:$0x3FB9] =	sst s0  }
0x18: {  	s0 =	sld [smem:$0x3F9C];
	_ =	swait.ge [sflag:s4], $0x0  }
0x19: {  	s7 =	sld [smem:$0x3F9D]  }
0x1a: {  	s8 =	sadd.s32 $0xFFFFE003, lr  }
0x1b: {  	s9 =	sadd.s32 $0xFFFFFEF7, lr;
	s5 =	simm.s32 $0xFFFFFFFF;
	p2 =	slt.u32 s8, $0xFFFFF086  }
0x1c: {  	p1 =	slt.u32 s9, $0xF7A;
	s5 =	simm.s32 @!p2 $0x0  }
0x1d: {  	s5 =	simm.s32 @p1 $0x1;
	p0 =	seq.s32 s7, s2  }
0x1e: {  	s7 =	smul.u32 @!p0 $0xF7A, s2;
	p2 =	seq.s32 @!p0 s5, $0x0  }
0x1f: {  	s9 =	smul.u32 $0xF7A, s1;
	s8 =	simm.s32 @!p0 $0x1BF5;
	p2 =	por !p2, p0  }
0x20: {  	[sflag:s8] =	ssyncset.s32 @!p0 $0xFFFFF086;
	s6 =	sadd.s32 @!p0 s3, s7;
	s7 =	simm.s32 @!p0 $0x108  }
0x21: {  	s3 =	sadd.s32 s3, s9;
	s6 =	sadd.s32 @!p0 $0x88, s6;
	s7 =	simm.s32 @p2 $0x1082  }
0x22: {  	[simem:s7], [sflag:s8] =	dma.local @!p0 [hbm:s6], $0xF7A  }
0x23: {  	s9 =	sor.u32 $0xD0000000, s2;
	s6 =	simm.s32 $0x108;
	_ =	swait.ge @!p0 [sflag:s8], $0x0  }
0x24: {  	s3 =	sadd.s32 $0x88, s3;
	s6 =	simm.s32 @!p1 $0x1082;
	[sflag:s4] =	ssyncset.s32 $0xFFFFF086  }
0x25: {  	[simem:s6], [sflag:s4] =	dma.local [hbm:s3], $0xF7A  }
0x26: {  	[smem:$0x3F9D] =	sst s1;
	(tag) =	ssettag s2;
	_ =	strace s9  }
0x27: {  	s1 =	sld [smem:$0x3FAD]  }
0x28: {  	s2 =	sld [smem:$0x3FAE]  }
0x29: {  	s4 =	sld [smem:$0x3FB0]  }
0x2a: {  	p0 =	seq.s32 s5, $0x0;
	s5 =	sld [smem:$0x3FB1]  }
0x2b: {  	s6 =	sld [smem:$0x3FB2]  }
0x2c: {  	s7 =	sld [smem:$0x3FB3]  }
0x2d: {  	s3 =	simm.s32 $0x108;
	s8 =	sld [smem:$0x3FB4]  }
0x2e: {  	s3 =	simm.s32 @!p0 $0x1082;
	s9 =	sld [smem:$0x3FB5]  }
0x2f: {  	lr =	sadd.s32 s0, s3;
	s0 =	sld [smem:$0x3FAC]  }
0x30: {  	s3 =	sld [smem:$0x3FAF]  }
0x31: {  	[smem:$0x3FB8] =	sst s10  }
0x32: {  	s10 =	sld [smem:$0x3FB6];
	_ =	sdelay $0x3  }
0x33: {  	p0 =	seq.s32 s10, $0x1;
	s10 =	sld [smem:$0x3FB8];
	_ =	sdelay $0x3  }
0x34: {  	[smem:$0x3FB8] =	sst s10  }
0x35: {  	s10 =	sld [smem:$0x3FB7];
	_ =	sdelay $0x3  }
0x36: {  	p1 =	seq.s32 s10, $0x1;
	s10 =	sld [smem:$0x3FB8];
	_ =	sdelay $0x3  }
0x37: {  	[smem:$0x3FB8] =	sst s10  }
0x38: {  	s10 =	sld [smem:$0x3FB9]  }
0x39: {  	_ = 	snop;
	(pc) =	sbr.ind lr, $3  }
0x3a: {  	_ = 	snop  }
0x3b: {  	_ = 	snop  }
0x3c: {  	p2 =	seq.s32 s10, $0x1;
	s10 =	sld [smem:$0x3FB8]  }
0x3d: {  	_ =	shalt  }
0x3e: {  	_ =	shalt  }
0x3f: {  	_ =	shalt  }
0x40: {  	_ =	shalt  }
0x41: {  	_ =	shalt  }
0x42: {  	_ =	shalt  }
0x43: {  	_ =	shalt  }
0x44: {  	_ =	shalt  }
0x45: {  	_ =	shalt  }
0x46: {  	_ =	shalt  }
0x47: {  	_ =	shalt  }
0x48: {  	_ =	shalt  }
0x49: {  	_ =	shalt  }
0x4a: {  	_ =	shalt  }
0x4b: {  	_ =	shalt  }
0x4c: {  	_ =	shalt  }
0x4d: {  	_ =	shalt  }
0x4e: {  	_ =	shalt  }
0x4f: {  	_ =	shalt  }
0x50: {  	_ =	shalt  }
0x51: {  	_ =	shalt  }
0x52: {  	_ =	shalt  }
0x53: {  	_ =	shalt  }
0x54: {  	_ =	shalt  }
0x55: {  	_ =	shalt  }
0x56: {  	_ =	shalt  }
0x57: {  	_ =	shalt  }
0x58: {  	_ =	shalt  }
0x59: {  	_ =	shalt  }
0x5a: {  	_ =	shalt  }
0x5b: {  	_ =	shalt  }
0x5c: {  	_ =	shalt  }
0x5d: {  	_ =	shalt  }
0x5e: {  	_ =	shalt  }
0x5f: {  	_ =	shalt  }
0x60: {  	_ =	shalt  }
0x61: {  	_ =	shalt  }
0x62: {  	_ =	shalt  }
0x63: {  	_ =	shalt  }
0x64: {  	_ =	shalt  }
0x65: {  	_ =	shalt  }
0x66: {  	_ =	shalt  }
0x67: {  	_ =	shalt  }
0x68: {  	_ =	shalt  }
0x69: {  	_ =	shalt  }
0x6a: {  	_ =	shalt  }
0x6b: {  	_ =	shalt  }
0x6c: {  	_ =	shalt  }
0x6d: {  	_ =	shalt  }
0x6e: {  	_ =	shalt  }
0x6f: {  	_ =	shalt  }
0x70: {  	_ =	shalt  }
0x71: {  	_ =	shalt  }
0x72: {  	_ =	shalt  }
0x73: {  	_ =	shalt  }
0x74: {  	_ =	shalt  }
0x75: {  	_ =	shalt  }
0x76: {  	_ =	shalt  }
0x77: {  	_ =	shalt  }
0x78: {  	_ =	shalt  }
0x79: {  	_ =	shalt  }
0x7a: {  	_ =	shalt  }
0x7b: {  	_ =	shalt  }
0x7c: {  	_ =	shalt  }
0x7d: {  	_ =	shalt  }
0x7e: {  	_ =	shalt  }
0x7f: {  	_ =	shalt  }
0x80: {  	_ =	shalt  }
0x81: {  	_ =	shalt  }
0x82: {  	_ =	shalt  }
0x83: {  	_ =	shalt  }
0x84: {  	_ =	shalt  }
0x85: {  	_ =	shalt  }
0x86: {  	_ =	shalt  }
0x87: {  	_ =	shalt  }
.Lfunc_end0:
.L_simem_size_0:
called_computation_lowered:
.L_overlay_start_0:
0x88: {  	s2 =	sld [smem:$0x3FD9]  }
0x89: {  	s3 =	sld [smem:$0x3FFE];
	_ =	sdelay $0x1  }
0x8a: {  	s1 =	srdreg.scid  }
0x8b: {  	s0 =	sand.u32 $0x1, s1  }
0x8c: {  	s18 =	sshll.u32 s0, $0xA;
	s2 =	sadd.s32 s3, s2  }
0x8d: {  	s2 =	sadd.s32 s2, s18  }
0x8e: {  	[smem:$0x3FC4] =	sst s2  }
0x8f: {  	_ = 	snop  }
0x90: {  	s2 =	sld [smem:$0x3FC9]  }
0x91: {  	s19 =	sld [smem:$0x3FC8]  }
0x92: {  	s4 =	sld [smem:$0x3FC7]  }
0x93: {  	s5 =	sld [smem:$0x3FC6]  }
0x94: {  	s6 =	sld [smem:$0x3FD0];
	(tm) =	ssettm $0x1  }
0x95: {  	s7 =	sld [smem:$0x3FFB];
	_ =	sdelay $0x3  }
0x96: {  	_ =	strace s7  }
0x97: {  	s7 =	sld [smem:$0x3FFC];
	_ =	sdelay $0x3  }
0x98: {  	_ =	strace s7  }
0x99: {  	s7 =	sld [smem:$0x3FFD];
	_ =	sdelay $0x3  }
0x9a: {  	_ =	strace s7  }
0x9b: {  	_ =	strace $0x8FFFFFFF  }
0x9c: {  	s20 =	sld [smem:$0x3FDB];
	_ =	sdelay $0x1  }
0x9d: {  	s8 =	simm.s32 $_scs_section_size  }
0x9e: {  	s9 =	simm.s32 $_size__tile_overlayer_lowered;
	s10 =	simm.s32 $_tile_overlayer_lowered  }
0x9f: {  	s23 =	simm.s32 $0x1BFF;
	s22 =	sshll.u32 s10, $0x1;
	s7 =	sadd.s32 s8, s20  }
0xa0: {  	s11 =	simm.s32 $0x0;
	s21 =	sshll.u32 s9, $0x1;
	s9 =	sadd.s32 s22, s7  }
0xa1: {  	[timem:s11], [sflag:s23] =	dma.local [hbm:s9], s21  }
0xa2: {  	_ =	swait.ge [sflag:s23], s21  }
0xa3: {  	s8 =	ssub.s32 $0x0, s21;
	[sflag:s23] =	ssyncset.done $0x0  }
0xa4: {  	[sflag:s23] =	ssyncadd.s32 s8;
	_ =	sdelay $0x1  }
0xa5: {  	s24 =	simm.s32 $0x1B8B  }
0xa6: {  	_ =	swait.ge [sflag:s24], $0x1  }
0xa7: {  	[sflag:s24] =	ssyncset.done $0x0  }
0xa8: {  	s25 =	simm.s32 $0x1B8E;
	[sflag:s24] =	ssyncadd.s32 $0xFFFFFFFF  }
0xa9: {  	s26 =	simm.s32 $execute0_lowered;
	[smem:$0x3FD2] =	sst s25  }
0xaa: {  	s8 =	sshll.u32 s26, $0x1;
	_ =	strace $0x80000046;
	[dreg:$0x1] =	wrdreg $0xFFFFFFFF  }
0xab: {  	s28 =	simm.s32 $_size_execute0_lowered;
	s7 =	sadd.s32 s7, s8;
	[dreg:$0x0] =	wrdreg $0x0  }
0xac: {  	s8 =	sshll.u32 s28, $0x1;
	[dreg:$0x2] =	wrdreg s7  }
0xad: {  	[dreg:$0x3] =	wrdreg s8  }
0xae: {  	[dreg:$0x4] =	wrdreg $0xC0  }
0xaf: {  	_ =	task [dreg:s11], $0x5FFFF  }
0xb0: {  	[dreg:$0x1] =	wrdreg $0xFFFFFFFF  }
0xb1: {  	[dreg:$0x0] =	wrdreg $0x60  }
0xb2: {  	[dreg:$0x2] =	wrdreg s2  }
0xb3: {  	[dreg:$0x3] =	wrdreg s19  }
0xb4: {  	[dreg:$0x4] =	wrdreg s4  }
0xb5: {  	[dreg:$0x5] =	wrdreg s5  }
0xb6: {  	[dreg:$0x6] =	wrdreg s6  }
0xb7: {  	[dreg:$0x7] =	wrdreg $0x9  }
0xb8: {  	_ =	task.clear_ibuf [dreg:s11], $0x8FFFF;
	_ =	strace $0x90000046  }
0xb9: {  	s29 =	simm.s32 $0x9;
	_ =	strace $0x80000048  }
0xba: {  	_ =	swait.ge [sflag:s29], $0x1  }
0xbb: {  	[sflag:s29] =	ssyncadd.s32 $0xFFFFFFFF  }
0xbc: {  	_ =	strace $0x90000048  }
0xbd: {  	_ =	sfence  }
0xbe: {  	s30 =	sld [smem:$0x0];
	_ =	sdelay $0x2  }
0xbf: {  	s31 =	sshll.u32 s1, $0xD;
	s1 =	sshrl.u32 s1, $0x2  }
0xc0: {  	s3 =	sand.u32 $0x4000, s31;
	s1 =	sadd.s32 s1, s30  }
0xc1: {  	s0 =	sor.u32 s3, s0;
	s1 =	sshll.u32 s1, $0x11  }
0xc2: {  	s0 =	sor.u32 s1, s0  }
0xc3: {  	s0 =	sadd.s32 $0x8F2B, s0  }
0xc4: {  	[sflag:s0] =	ssyncadd.remote.s32 $0x1  }
0xc5: {  	_ =	sfence.sel $0xFFFF  }
0xc6: {  	[dreg:$0x0] =	wrdreg $0xFFFFFFFF;
	(pc) =	sbr.abs _section_cstart, $3  }
0xc7: {  	[dreg:$0x1] =	wrdreg $0xFFFFFFFF  }
0xc8: {  	_ =	task.clear_ibuf [dreg:s11], $0x2FFFF;
	_ =	strace $0x9FFFFFFF  }
0xc9: {  	(tm) =	ssettm $0x7FFFFFFF  }
tec
execute0_lowered:
.L_overlay_start_1:
0x0: {  	(tag) =	ssettag $0x1  }
0x1: {  	s0 =	rddreg [dreg:$0x0]  }
0x2: {  	v0 =	vlaneseq.u32;
	s5 =	rddreg [dreg:$0x1];
	v4 =	vimm.s32 $0xBA98FEDC  }
0x3: {  	s7 =	rddreg [dreg:$0x2];
	v5 =	vimm.s32 $0x76543210;
	v6 =	vimm.s32 $0xFEDCBA98;
	v9 =	vimm.s32 $0xDCFE98BA  }
0x4: {  	s8 =	rddreg [dreg:$0x3];
	v10 =	vimm.s32 $0x54761032;
	v11 =	vimm.s32 $0xEFCDAB89;
	v7 =	vunpack.c.l.s4.s8 v4  }
0x5: {  	s6 =	rddreg [dreg:$0x4];
	v12 =	vimm.s32 $0x67452301;
	v1 =	vor.u32 $0x10, v0;
	v8 =	vunpack.c.l.s4.s8 v5  }
0x6: {  	s1 =	rddreg [dreg:$0x5];
	s4 =	srdreg.scid;
	v5 =	vunpack.c.l.s4.s8 v6;
	v6 =	vunpack.c.0.s8.s32 v7;
	v7 =	vimm.s32 $0x32107654  }
0x7: {  	s3 =	simm.s32 $0x0;
	s2 =	stileid.u32;
	s12 =	simm.s32 $0x8080;
	v2 =	vor.u32 $0x20, v0;
	v3 =	vor.u32 $0x30, v0;
	v7 =	vunpack.c.l.s4.s8 v7  }
0x8: {  	s13 =	simm.s32 $0x2;
	s14 =	simm.s32 $0x80;
	s15 =	simm.s32 $0x1;
	v9 =	vunpack.c.l.s4.s8 v9;
	v10 =	vunpack.c.l.s4.s8 v10;
	v11 =	vunpack.c.l.s4.s8 v11  }
0x9: {  	s16 =	simm.s32 $0xC080;
	s17 =	simm.s32 $0xE080;
	s4 =	sand.u32 $0x1, s4;
	v12 =	vunpack.c.l.s4.s8 v12;
	v13 =	vunpack.c.0.s8.s32 v5;
	v7 =	vunpack.c.0.s8.s32 v7  }
0xa: {  	s18 =	simm.s32 $0x0;
	s10 =	sshll.u32 s2, $0x8;
	s9 =	ssub.s32 $0x2, s4;
	v9 =	vunpack.c.0.s8.s32 v9;
	v10 =	vunpack.c.0.s8.s32 v10;
	v8 =	vunpack.c.0.s8.s32 v8  }
0xb: {  	[smem:$0x7FF] =	sst s3;
	s4 =	sshll.u32 s4, $0x7;
	s11 =	sshrl.u32 s9, $0x1;
	v14 =	vcombine.low v7, v6;
	v7 =	vunpack.c.0.s8.s32 v11;
	v11 =	vunpack.c.0.s8.s32 v12  }
0xc: {  	v4 =	vor.u32 $0x40, v0;
	_ =	strace $0x80000047;
	s4 =	sor.u32 s4, s10;
	s29 =	ssub.s32 s9, s11;
	v10 =	vcombine.low v10, v9;
	v9 =	vand.u32 $0xF, v13  }
0xd: {  	v5 =	vor.u32 $0x50, v0;
	s30 =	sshll.u32 s4, $0x4;
	s31 =	sshrl.u32 s4, $0x3;
	s11 =	simm.s32 $0x4080;
	v8 =	vcombine.low v9, v8;
	v11 =	vcombine.low v11, v7  }
0xe: {  	s5 =	sadd.s32 s5, s30;
	s6 =	sadd.s32 s6, s30;
	s7 =	sadd.s32 s7, s30;
	v10 =	vand.u32 $0xF, v10;
	v6 =	vor.u32 $0x60, v0;
	v12 =	vimm.f32 $0.0e+00  }
0xf: {  	s8 =	sadd.s32 s8, s31;
	s10 =	smax.u32 s29, $0x1;
	s9 =	sadd.s32 $0x400, s6;
	v7 =	vor.u32 $0x70, v0;
	v9 =	vand.u32 $0xF, v14;
	v11 =	vand.u32 $0xF, v11  }
.LBB2_1:
0x10: {  	[tilespmem:s11], [sflag:$0x1] =	stream.linear.gather [hbm4b:s5+s3], $0x4000, $0x38;
	[tilespmem:$0x10080] =	vst v63  }
0x11: {  	_ = 	snop  }
0x12: {  	[tilespmem:s12], [sflag:$0x1] =	stream.linear.gather [hbm4b:s7+s3], $0x4000, $0x38;
	[tilespmem:$0x10080] =	vst v63  }
0x13: {  	_ = 	snop  }
0x14: {  	[tilespmem:s3], [sflag:$0x2] =	stream.linear.gather [hbm4b:s8+s3], $0x80, $0x38;
	[tilespmem:$0x10080] =	vst v63  }
0x15: {  	_ =	swait.ge [sflag:s13], $0x80  }
0x16: {  	[sflag:s13] =	ssyncset.done $0x0  }
0x17: {  	s20 =	simm.s32 $0x0;
	[sflag:s13] =	ssyncadd.s32 $0xFFFFFF80  }
0x18: {  	v13 =	vld [tilespmem:s20+$0x0];
	_ =	sdelay $0x4  }
0x19: {  	v13 =	vshll.u32 v13, $0xC  }
0x1a: {  	v13 =	vadd.s32 s4, v13  }
0x1b: {  	v13 =	vadd.s32 v0, v13  }
0x1c: {  	s19 =	simm.s32 $0x10;
	s21 =	simm.s32 $0x80;
	[tilespmem:s20+$0x0] =	vst v13;
	s20 =	smov.u32 s4  }
.LBB2_2:
0x1d: {  	p0 =	sne.s32 s21, $0x1C0;
	v13 =	vld [tilespmem:s19+$0x0];
	_ =	sdelay $0x3  }
.Ltmp0:
0x1e: {  	(pc) =	sbr.rel @p0 .LBB2_2-.Ltmp0, $4  }
0x1f: {  	s20 =	sadd.s32 $0x10, s20;
	v13 =	vshll.u32 v13, $0xC  }
0x20: {  	v13 =	vadd.s32 s20, v13  }
0x21: {  	v13 =	vadd.s32 v0, v13  }
0x22: {  	[tilespmem:s19+$0x0] =	vst v13;
	s19 =	sshra.s32 s21, $0x2;
	s21 =	sadd.s32 $0x40, s21  }
0x23: {  	v13 =	vld [tilespmem:s19+$0x0];
	_ =	sdelay $0x4  }
0x24: {  	s20 =	sadd.s32 $0x10, s20;
	v13 =	vshll.u32 v13, $0xC  }
0x25: {  	v13 =	vadd.s32 s20, v13  }
0x26: {  	v13 =	vadd.s32 v0, v13  }
0x27: {  	s31 =	simm.s32 $0x0;
	[tilespmem:s19+$0x0] =	vst v13  }
0x28: {  	[tilespmem:s14], [sflag:$0x1] =	stream.indirect.gather [hbm4b:s0+s14], $0x80, s31, s14, $0xb8;
	[tilespmem:$0x10080] =	vst v63  }
0x29: {  	_ =	swait.ge [sflag:s15], $0x4000  }
0x2a: {  	[sflag:s15] =	ssyncset.done $0x0  }
0x2b: {  	[sflag:s15] =	ssyncadd.s32 $0xFFFFC000  }
0x2c: {  	_ =	swait.ge [sflag:s15], $0x4000  }
0x2d: {  	[sflag:s15] =	ssyncset.done $0x0  }
0x2e: {  	[sflag:s15] =	ssyncadd.s32 $0xFFFFC000  }
0x2f: {  	_ =	swait.ge [sflag:s15], $0x4000  }
0x30: {  	[sflag:s15] =	ssyncset.done $0x0  }
0x31: {  	s19 =	simm.s32 $0x0;
	[sflag:s15] =	ssyncadd.s32 $0xFFFFC000  }
0x32: {  	v13 =	vld [tilespmem:s19+$0x8080]  }
0x33: {  	v14 =	vld [tilespmem:s19+$0x8090]  }
0x34: {  	v15 =	vld [tilespmem:s19+$0x80A0]  }
0x35: {  	v16 =	vld [tilespmem:s19+$0x80B0]  }
0x36: {  	v17 =	vld [tilespmem:s19+$0x80]  }
0x37: {  	v18 =	vld [tilespmem:s19+$0x4080]  }
0x38: {  	v19 =	vld [tilespmem:s19+$0x90]  }
0x39: {  	v20 =	vld [tilespmem:s19+$0x4090]  }
0x3a: {  	v21 =	vld [tilespmem:s19+$0xA0]  }
0x3b: {  	v22 =	vld [tilespmem:s19+$0x40A0]  }
0x3c: {  	v23 =	vld [tilespmem:s19+$0xB0]  }
0x3d: {  	v24 =	vld [tilespmem:s19+$0x40B0]  }
0x3e: {  	v25 =	vld [tilespmem:s19+$0xC0]  }
0x3f: {  	v26 =	vld [tilespmem:s19+$0x40C0]  }
0x40: {  	v27 =	vld [tilespmem:s19+$0xD0]  }
0x41: {  	v28 =	vld [tilespmem:s19+$0x40D0]  }
0x42: {  	v29 =	vld [tilespmem:s19+$0xE0]  }
0x43: {  	v30 =	vld [tilespmem:s19+$0x40E0]  }
0x44: {  	v31 =	vld [tilespmem:s19+$0xF0]  }
0x45: {  	v32 =	vld [tilespmem:s19+$0x40F0]  }
0x46: {  	v33 =	vld [tilespmem:s19+$0x80C0]  }
0x47: {  	v34 =	vld [tilespmem:s19+$0x80D0]  }
0x48: {  	v35 =	vld [tilespmem:s19+$0x80E0]  }
0x49: {  	v17 =	vmin.f32 v17, v18;
	v18 =	vmin.f32 v19, v20;
	v19 =	vmin.f32 v21, v22;
	v20 =	vld [tilespmem:s19+$0x80F0]  }
0x4a: {  	s20 =	simm.s32 $0x80;
	v21 =	vmin.f32 v23, v24;
	v22 =	vmin.f32 v25, v26;
	v23 =	vmin.f32 v27, v28  }
0x4b: {  	v47 =	vld [tilespmem:s20+$0xE0];
	v25 =	vmin.f32 v29, v30;
	v26 =	vmin.f32 v31, v32;
	v13 =	vmin.f32 v17, v13  }
0x4c: {  	v49 =	vld [tilespmem:s20+$0x80D0];
	v14 =	vmin.f32 v18, v14;
	v15 =	vmin.f32 v19, v15;
	v16 =	vmin.f32 v21, v16  }
0x4d: {  	v37 =	vld [tilespmem:s20+$0x80E0];
	v19 =	vmin.f32 v22, v33;
	v21 =	vmin.f32 v23, v34;
	v22 =	vmin.f32 v25, v35  }
0x4e: {  	v24 =	vld [tilespmem:s20+$0x8080];
	vm2 =	vgt.f32 v14, v13;
	vm0 =	vgt.f32 v16, v15;
	v20 =	vmin.f32 v26, v20  }
0x4f: {  	v27 =	vld [tilespmem:s20+$0xC0];
	vm1 =	vgt.f32 v21, v19;
	v13 =	vsel vm2, v14, v13;
	vm3 =	vgt.f32 v20, v22  }
0x50: {  	v28 =	vld [tilespmem:s20+$0x40C0];
	v14 =	vsel vm0, v16, v15;
	v16 =	vsel vm1, v21, v19;
	v19 =	vsel vm3, v20, v22  }
0x51: {  	v29 =	vld [tilespmem:s20+$0xD0];
	vm4 =	vgt.f32 v14, v13;
	vm5 =	vgt.f32 v19, v16  }
0x52: {  	v31 =	vld [tilespmem:s20+$0x40D0];
	v13 =	vsel vm4, v14, v13;
	v14 =	vsel vm5, v19, v16  }
0x53: {  	v17 =	vld [tilespmem:s20+$0x8090];
	vm6 =	vgt.f32 v14, v13  }
0x54: {  	v25 =	vld [tilespmem:s20+$0x80];
	v13 =	vsel vm6, v14, v13  }
0x55: {  	v15 =	vld [tilespmem:s20+$0x90];
	v22 =	vperm.xlane v13, v8  }
0x56: {  	v21 =	vld [tilespmem:s20+$0xA0]  }
0x57: {  	v20 =	vld [tilespmem:s20+$0x4090];
	v22 =	vmax.f32 v13, v22  }
0x58: {  	v16 =	vld [tilespmem:s20+$0x40A0];
	v30 =	vperm.xlane v22, v9  }
0x59: {  	v19 =	vld [tilespmem:s20+$0xB0]  }
0x5a: {  	v14 =	vld [tilespmem:s20+$0x40B0];
	v22 =	vmax.f32 v22, v30  }
0x5b: {  	v26 =	vld [tilespmem:s20+$0x4080];
	v48 =	vperm.xlane v22, v10  }
0x5c: {  	v18 =	vld [tilespmem:s20+$0x80A0];
	v50 =	vsel vm0, v3, v2;
	v51 =	vsel vm1, v5, v4  }
0x5d: {  	v23 =	vld [tilespmem:s20+$0x80B0];
	v36 =	vsel vm3, v7, v6;
	v16 =	vmin.f32 v21, v16;
	v21 =	vmax.f32 v22, v48  }
0x5e: {  	v15 =	vmin.f32 v15, v20;
	v20 =	vld [tilespmem:s20+$0xF0];
	v22 =	vmin.f32 v27, v28;
	v28 =	vperm.xlane v21, v11  }
0x5f: {  	v52 =	vsel vm5, v36, v51;
	v19 =	vmin.f32 v19, v14;
	v14 =	vld [tilespmem:s20+$0x40F0];
	v27 =	vsel vm2, v1, v0  }
0x60: {  	v25 =	vmin.f32 v25, v26;
	v26 =	vld [tilespmem:s20+$0x80C0];
	v27 =	vsel vm4, v50, v27;
	v21 =	vmax.f32 v21, v28  }
0x61: {  	v18 =	vmin.f32 v16, v18;
	v30 =	vld [tilespmem:s20+$0x40E0];
	v27 =	vsel vm6, v52, v27;
	vm0 =	veq.f32 v13, v21  }
0x62: {  	s21 =	simm.s32 $0x100;
	v19 =	vmin.f32 v19, v23;
	v28 =	vmin.f32 v29, v31;
	v29 =	vld [tilespmem:s20+$0x80F0];
	v21 =	vnsel vm0, $0x80, v27  }
0x63: {  	v53 =	vld [tilespmem:s21+$0xB0];
	v24 =	vmin.f32 v25, v24;
	vm5 =	vgt.f32 v19, v18;
	v27 =	vperm.xlane v21, v8  }
0x64: {  	v54 =	vld [tilespmem:s21+$0x40B0];
	v25 =	vmin.f32 v15, v17;
	v18 =	vsel vm5, v19, v18;
	v20 =	vmin.f32 v20, v14  }
0x65: {  	v55 =	vld [tilespmem:s21+$0xC0];
	v22 =	vmin.f32 v22, v26;
	vm4 =	vgt.f32 v25, v24;
	vm0 =	vlt.s32 v21, v27  }
0x66: {  	v56 =	vld [tilespmem:s21+$0x40C0];
	v13 =	vmin.f32 v47, v30;
	v23 =	vmin.f32 v28, v49;
	v21 =	vsel vm0, v21, v27  }
0x67: {  	v15 =	vld [tilespmem:s21+$0x8090];
	v13 =	vmin.f32 v13, v37;
	v20 =	vmin.f32 v20, v29;
	v27 =	vperm.xlane v21, v9  }
0x68: {  	v17 =	vld [tilespmem:s21+$0x80B0];
	v24 =	vsel vm4, v25, v24;
	vm15 =	vgt.f32 v23, v22;
	vm7 =	vgt.f32 v20, v13  }
0x69: {  	v16 =	vld [tilespmem:s21+$0x80A0];
	v19 =	vsel vm15, v23, v22;
	v13 =	vsel vm7, v20, v13;
	vm0 =	vlt.s32 v21, v27  }
0x6a: {  	v14 =	vld [tilespmem:s21+$0x8080];
	vm8 =	vgt.f32 v18, v24;
	vm9 =	vgt.f32 v13, v19;
	v20 =	vsel vm0, v21, v27  }
0x6b: {  	v26 =	vld [tilespmem:s21+$0x80];
	v18 =	vsel vm8, v18, v24;
	v13 =	vsel vm9, v13, v19;
	v19 =	vperm.xlane v20, v10  }
0x6c: {  	v25 =	vld [tilespmem:s21+$0x90];
	vm3 =	vgt.f32 v13, v18  }
0x6d: {  	v31 =	vld [tilespmem:s21+$0x40A0];
	v18 =	vsel vm3, v13, v18;
	vm0 =	vlt.s32 v20, v19  }
0x6e: {  	v28 =	vld [tilespmem:s21+$0x4080];
	v13 =	vperm.xlane v18, v8;
	v21 =	vsel vm0, v20, v19  }
0x6f: {  	v30 =	vld [tilespmem:s21+$0xA0];
	v22 =	vperm.xlane v21, v11  }
0x70: {  	v29 =	vld [tilespmem:s21+$0x4090];
	v23 =	vmax.f32 v18, v13  }
0x71: {  	v27 =	vld [tilespmem:s21+$0xF0];
	v24 =	vperm.xlane v23, v9;
	vm0 =	vlt.s32 v21, v22  }
0x72: {  	v19 =	vld [tilespmem:s21+$0xD0];
	v13 =	vsel vm0, v21, v22  }
0x73: {  	v61 =	vsel vm5, v3, v2;
	v20 =	vld [tilespmem:s21+$0x40D0];
	v57 =	vmax.f32 v23, v24;
	vm1 =	veq.s32 v13, v7  }
0x74: {  	v59 =	vsel vm4, v1, v0;
	v21 =	vld [tilespmem:s21+$0xE0];
	v58 =	vperm.xlane v57, v10;
	v38 =	vsel vm1, $0x3F800000, v12  }
0x75: {  	v33 =	vsel vm8, v61, v59;
	v62 =	vsel vm15, v5, v4;
	v63 =	vsel vm7, v7, v6;
	v22 =	vld [tilespmem:s21+$0x40E0];
	[tilespmem:s19+$0xC0F0] =	vst v38  }
0x76: {  	v24 =	vmin.f32 v25, v29;
	v25 =	vmin.f32 v30, v31;
	v36 =	vmax.f32 v57, v58;
	v31 =	vld [tilespmem:s21+$0x40F0]  }
0x77: {  	v34 =	vsel vm9, v63, v62;
	v23 =	vmin.f32 v26, v28;
	v60 =	vperm.xlane v36, v11;
	v29 =	vld [tilespmem:s21+$0x80C0]  }
0x78: {  	v26 =	vmin.f32 v53, v54;
	v28 =	vmin.f32 v55, v56;
	vm0 =	veq.s32 v13, v0;
	v30 =	vld [tilespmem:s21+$0x80D0]  }
0x79: {  	s22 =	simm.s32 $0x600;
	vm2 =	veq.s32 v13, v2;
	vm1 =	veq.s32 v13, v1;
	v32 =	vld [tilespmem:s21+$0x80E0];
	v35 =	vmax.f32 v36, v60  }
.LBB2_4:
0x7a: {  	p0 =	sne.s32 s22, $0x7E00;
	v19 =	vmin.f32 v19, v20;
	v20 =	vld [tilespmem:s21+$0x80F0];
	v33 =	vsel vm3, v34, v33;
	vm3 =	veq.f32 v18, v35  }
0x7b: {  	s23 =	sshra.s32 s22, $0x2;
	v18 =	vmin.f32 v21, v22;
	v21 =	vmin.f32 v27, v31;
	v22 =	vnsel vm3, $0x80, v33  }
0x7c: {  	v23 =	vmin.f32 v23, v14;
	v24 =	vmin.f32 v24, v15;
	v14 =	vld [tilespmem:s23+$0x8080];
	v27 =	vperm.xlane v22, v8  }
0x7d: {  	v25 =	vmin.f32 v25, v16;
	v26 =	vmin.f32 v26, v17;
	v28 =	vmin.f32 v28, v29;
	v15 =	vld [tilespmem:s23+$0x8090]  }
0x7e: {  	v19 =	vmin.f32 v19, v30;
	v16 =	vld [tilespmem:s23+$0x80A0];
	v18 =	vmin.f32 v18, v32;
	vm3 =	vlt.s32 v22, v27  }
0x7f: {  	vm6 =	vgt.f32 v24, v23;
	v17 =	vld [tilespmem:s23+$0x80B0];
	v20 =	vmin.f32 v21, v20;
	v21 =	vsel vm3, v22, v27  }
0x80: {  	vm4 =	vgt.f32 v26, v25;
	vm5 =	vgt.f32 v19, v28;
	v27 =	vld [tilespmem:s23+$0x80];
	v22 =	vperm.xlane v21, v9  }
0x81: {  	v23 =	vsel vm6, v24, v23;
	v24 =	vsel vm4, v26, v25;
	vm7 =	vgt.f32 v20, v18;
	v29 =	vld [tilespmem:s23+$0x4080]  }
0x82: {  	v19 =	vsel vm5, v19, v28;
	v18 =	vsel vm7, v20, v18;
	v25 =	vld [tilespmem:s23+$0x90];
	vm3 =	vlt.s32 v21, v22  }
0x83: {  	vm8 =	vgt.f32 v24, v23;
	vm9 =	vgt.f32 v18, v19;
	v26 =	vld [tilespmem:s23+$0x4090];
	v20 =	vsel vm3, v21, v22  }
0x84: {  	v21 =	vsel vm8, v24, v23;
	v18 =	vsel vm9, v18, v19;
	v28 =	vld [tilespmem:s23+$0xA0];
	v19 =	vperm.xlane v20, v10  }
0x85: {  	vm10 =	veq.s32 v13, v3;
	vm11 =	veq.s32 v13, v4;
	vm3 =	vgt.f32 v18, v21;
	v30 =	vld [tilespmem:s23+$0x40A0]  }
0x86: {  	vm13 =	veq.s32 v13, v5;
	v18 =	vsel vm3, v18, v21;
	v31 =	vld [tilespmem:s23+$0xB0];
	vm12 =	vlt.s32 v20, v19  }
0x87: {  	v21 =	vperm.xlane v18, v8;
	v32 =	vld [tilespmem:s23+$0x40B0];
	v22 =	vsel vm12, v20, v19;
	vm12 =	veq.s32 v13, v6  }
0x88: {  	v19 =	vsel vm0, $0x3F800000, v12;
	v20 =	vsel vm1, $0x3F800000, v12;
	v33 =	vld [tilespmem:s23+$0xC0];
	v13 =	vperm.xlane v22, v11  }
0x89: {  	v24 =	vsel vm10, $0x3F800000, v12;
	v23 =	vmax.f32 v18, v21;
	v21 =	vsel vm2, $0x3F800000, v12;
	v34 =	vld [tilespmem:s23+$0x40C0];
	[tilespmem:s19+$0xC080] =	vst v19  }
0x8a: {  	v36 =	vsel vm11, $0x3F800000, v12;
	v35 =	vperm.xlane v23, v9;
	v19 =	vld [tilespmem:s23+$0xD0];
	vm0 =	vlt.s32 v22, v13;
	[tilespmem:s19+$0xC090] =	vst v20  }
0x8b: {  	v37 =	vsel vm13, $0x3F800000, v12;
	v38 =	vsel vm12, $0x3F800000, v12;
	v20 =	vld [tilespmem:s23+$0x40D0];
	v13 =	vsel vm0, v22, v13;
	[tilespmem:s19+$0xC0A0] =	vst v21  }
0x8c: {  	v35 =	vmax.f32 v23, v35;
	v21 =	vld [tilespmem:s23+$0xE0];
	vm0 =	veq.s32 v13, v0;
	vm2 =	veq.s32 v13, v7;
	[tilespmem:s19+$0xC0B0] =	vst v24  }
0x8d: {  	v39 =	vperm.xlane v35, v10;
	vm1 =	veq.s32 v13, v1;
	v22 =	vld [tilespmem:s23+$0x40E0];
	v40 =	vsel vm2, $0x3F800000, v12;
	[tilespmem:s19+$0xC0C0] =	vst v36  }
.Ltmp1:
0x8e: {  	v23 =	vmin.f32 v27, v29;
	v24 =	vmin.f32 v25, v26;
	vm2 =	veq.s32 v13, v2;
	v27 =	vld [tilespmem:s23+$0xF0];
	[tilespmem:s20+$0xC0F0] =	vst v40;
	(pc) =	sbr.rel @p0 .LBB2_4-.Ltmp1, $4  }
0x8f: {  	v25 =	vmin.f32 v28, v30;
	v26 =	vmin.f32 v31, v32;
	v35 =	vmax.f32 v35, v39;
	v31 =	vld [tilespmem:s23+$0x40F0];
	[tilespmem:s19+$0xC0D0] =	vst v37  }
0x90: {  	v28 =	vmin.f32 v33, v34;
	v33 =	vsel vm6, v1, v0;
	v36 =	vperm.xlane v35, v11;
	v29 =	vld [tilespmem:s23+$0x80C0];
	[tilespmem:s19+$0xC0E0] =	vst v38;
	s19 =	smov.u32 s20;
	s20 =	smov.u32 s21;
	s21 =	smov.u32 s23  }
0x91: {  	v34 =	vsel vm4, v3, v2;
	v37 =	vsel vm5, v5, v4;
	v38 =	vsel vm7, v7, v6;
	v30 =	vld [tilespmem:s21+$0x80D0]  }
0x92: {  	s22 =	sadd.s32 $0x200, s22;
	v33 =	vsel vm8, v34, v33;
	v34 =	vsel vm9, v38, v37;
	v35 =	vmax.f32 v35, v36;
	v32 =	vld [tilespmem:s21+$0x80E0]  }
0x93: {  	v36 =	vld [tilespmem:s21+$0x80F0]  }
0x94: {  	v19 =	vmin.f32 v19, v20  }
0x95: {  	v20 =	vmin.f32 v21, v22;
	v14 =	vmin.f32 v23, v14;
	v15 =	vmin.f32 v24, v15  }
0x96: {  	v16 =	vmin.f32 v25, v16;
	v17 =	vmin.f32 v26, v17;
	v21 =	vmin.f32 v27, v31  }
0x97: {  	vm4 =	vgt.f32 v15, v14;
	vm5 =	vgt.f32 v17, v16;
	v22 =	vmin.f32 v28, v29  }
0x98: {  	v19 =	vmin.f32 v19, v30;
	v20 =	vmin.f32 v20, v32;
	v21 =	vmin.f32 v21, v36  }
0x99: {  	v14 =	vsel vm4, v15, v14;
	vm6 =	vgt.f32 v19, v22;
	vm7 =	vgt.f32 v21, v20  }
0x9a: {  	v15 =	vsel vm5, v17, v16;
	v16 =	vsel vm6, v19, v22;
	v17 =	vsel vm7, v21, v20  }
0x9b: {  	vm8 =	vgt.f32 v15, v14;
	vm9 =	vgt.f32 v17, v16  }
0x9c: {  	v14 =	vsel vm8, v15, v14;
	v15 =	vsel vm9, v17, v16  }
0x9d: {  	vm10 =	vgt.f32 v15, v14  }
0x9e: {  	v14 =	vsel vm10, v15, v14  }
0x9f: {  	v15 =	vperm.xlane v14, v8;
	_ =	sdelay $0x1  }
0xa0: {  	v15 =	vmax.f32 v14, v15  }
0xa1: {  	v17 =	vperm.xlane v15, v9  }
0xa2: {  	v16 =	vsel vm3, v34, v33;
	vm3 =	veq.f32 v18, v35  }
0xa3: {  	v16 =	vnsel vm3, $0x80, v16;
	v15 =	vmax.f32 v15, v17  }
0xa4: {  	v18 =	vperm.xlane v16, v8;
	v17 =	vperm.xlane v15, v10;
	_ =	sdelay $0x1  }
0xa5: {  	v20 =	vsel vm5, v3, v2;
	vm3 =	vlt.s32 v16, v18;
	v15 =	vmax.f32 v15, v17  }
0xa6: {  	v21 =	vsel vm6, v5, v4;
	v16 =	vsel vm3, v16, v18;
	v19 =	vperm.xlane v15, v11  }
0xa7: {  	v22 =	vsel vm7, v7, v6;
	v18 =	vsel vm4, v1, v0;
	v17 =	vperm.xlane v16, v9  }
0xa8: {  	v18 =	vsel vm8, v20, v18;
	v20 =	vsel vm9, v22, v21;
	v15 =	vmax.f32 v15, v19  }
0xa9: {  	v18 =	vsel vm10, v20, v18;
	vm3 =	vlt.s32 v16, v17;
	vm4 =	veq.f32 v14, v15  }
0xaa: {  	v14 =	vsel vm3, v16, v17;
	v15 =	vnsel vm4, $0x80, v18  }
0xab: {  	v16 =	vperm.xlane v14, v10;
	v17 =	vperm.xlane v15, v8;
	_ =	sdelay $0x1  }
0xac: {  	vm3 =	vlt.s32 v14, v16;
	vm4 =	vlt.s32 v15, v17  }
0xad: {  	v14 =	vsel vm3, v14, v16;
	v15 =	vsel vm4, v15, v17  }
0xae: {  	v19 =	vsel vm1, $0x3F800000, v12;
	v16 =	vperm.xlane v14, v11;
	v18 =	vperm.xlane v15, v9  }
0xaf: {  	[tilespmem:s19+$0xC090] =	vst v19;
	vm3 =	veq.s32 v13, v4;
	v17 =	vsel vm0, $0x3F800000, v12;
	vm0 =	veq.s32 v13, v3  }
0xb0: {  	[tilespmem:s19+$0xC080] =	vst v17;
	v17 =	vsel vm2, $0x3F800000, v12;
	vm1 =	vlt.s32 v14, v16;
	vm2 =	vlt.s32 v15, v18  }
0xb1: {  	v19 =	vsel vm0, $0x3F800000, v12;
	[tilespmem:s19+$0xC0A0] =	vst v17;
	v14 =	vsel vm1, v14, v16;
	v15 =	vsel vm2, v15, v18  }
0xb2: {  	[tilespmem:s19+$0xC0B0] =	vst v19;
	v16 =	vsel vm3, $0x3F800000, v12;
	vm0 =	veq.s32 v14, v7;
	v17 =	vperm.xlane v15, v10  }
0xb3: {  	vm1 =	veq.s32 v13, v5;
	[tilespmem:s19+$0xC0C0] =	vst v16;
	v18 =	vsel vm0, $0x3F800000, v12  }
0xb4: {  	vm0 =	veq.s32 v13, v6;
	v13 =	vsel vm1, $0x3F800000, v12;
	[tilespmem:s20+$0xC0F0] =	vst v18;
	vm1 =	vlt.s32 v15, v17  }
0xb5: {  	v16 =	vsel vm0, $0x3F800000, v12;
	vm0 =	veq.s32 v14, v0;
	[tilespmem:s19+$0xC0D0] =	vst v13;
	v13 =	vsel vm1, v15, v17  }
0xb6: {  	[tilespmem:s19+$0xC0E0] =	vst v16;
	v16 =	vsel vm0, $0x3F800000, v12;
	vm0 =	veq.s32 v14, v2;
	v15 =	vperm.xlane v13, v11  }
0xb7: {  	vm1 =	veq.s32 v14, v1;
	[tilespmem:s20+$0xC080] =	vst v16;
	v16 =	vsel vm0, $0x3F800000, v12  }
0xb8: {  	v17 =	vsel vm1, $0x3F800000, v12;
	vm1 =	veq.s32 v14, v3;
	[tilespmem:s20+$0xC0A0] =	vst v16;
	vm0 =	vlt.s32 v13, v15  }
0xb9: {  	vm2 =	veq.s32 v14, v4;
	[tilespmem:s20+$0xC090] =	vst v17;
	v17 =	vsel vm1, $0x3F800000, v12;
	v13 =	vsel vm0, v13, v15  }
0xba: {  	[tilespmem:s20+$0xC0B0] =	vst v17;
	v15 =	vsel vm2, $0x3F800000, v12;
	vm0 =	veq.s32 v13, v7  }
0xbb: {  	vm1 =	veq.s32 v14, v5;
	[tilespmem:s20+$0xC0C0] =	vst v15;
	v16 =	vsel vm0, $0x3F800000, v12  }
0xbc: {  	vm0 =	veq.s32 v14, v6;
	v14 =	vsel vm1, $0x3F800000, v12;
	[tilespmem:s21+$0xC0F0] =	vst v16  }
0xbd: {  	v15 =	vsel vm0, $0x3F800000, v12;
	vm0 =	veq.s32 v13, v0;
	[tilespmem:s20+$0xC0D0] =	vst v14  }
0xbe: {  	vm1 =	veq.s32 v13, v1;
	[tilespmem:s20+$0xC0E0] =	vst v15;
	v14 =	vsel vm0, $0x3F800000, v12  }
0xbf: {  	vm0 =	veq.s32 v13, v2;
	v15 =	vsel vm1, $0x3F800000, v12;
	[tilespmem:s21+$0xC080] =	vst v14  }
0xc0: {  	vm1 =	veq.s32 v13, v3;
	v14 =	vsel vm0, $0x3F800000, v12;
	[tilespmem:s21+$0xC090] =	vst v15  }
0xc1: {  	vm0 =	veq.s32 v13, v4;
	v15 =	vsel vm1, $0x3F800000, v12;
	[tilespmem:s21+$0xC0A0] =	vst v14  }
0xc2: {  	vm1 =	veq.s32 v13, v5;
	v14 =	vsel vm0, $0x3F800000, v12;
	[tilespmem:s21+$0xC0B0] =	vst v15  }
0xc3: {  	vm0 =	veq.s32 v13, v6;
	v13 =	vsel vm1, $0x3F800000, v12;
	[tilespmem:s21+$0xC0C0] =	vst v14  }
0xc4: {  	v14 =	vsel vm0, $0x3F800000, v12;
	[tilespmem:s21+$0xC0D0] =	vst v13  }
0xc5: {  	s31 =	simm.s32 $0x0;
	s19 =	simm.s32 $0x0;
	[tilespmem:s21+$0xC0E0] =	vst v14  }
0xc6: {  	[hbm4b:s6+s31] =	stream.linear.scatter [tilespmem:s16], [sflag:$0x1], $0x2000, $0x38;
	[tilespmem:$0x10080] =	vst v63  }
0xc7: {  	v13 =	vld [tilespmem:s19+$0xA080]  }
0xc8: {  	v14 =	vld [tilespmem:s19+$0xA090]  }
0xc9: {  	v15 =	vld [tilespmem:s19+$0xA0A0]  }
0xca: {  	v16 =	vld [tilespmem:s19+$0xA0B0]  }
0xcb: {  	v17 =	vld [tilespmem:s19+$0x2080]  }
0xcc: {  	v18 =	vld [tilespmem:s19+$0x6080]  }
0xcd: {  	v19 =	vld [tilespmem:s19+$0x2090]  }
0xce: {  	v20 =	vld [tilespmem:s19+$0x6090]  }
0xcf: {  	v21 =	vld [tilespmem:s19+$0x20A0]  }
0xd0: {  	v22 =	vld [tilespmem:s19+$0x60A0]  }
0xd1: {  	v23 =	vld [tilespmem:s19+$0x20B0]  }
0xd2: {  	v24 =	vld [tilespmem:s19+$0x60B0]  }
0xd3: {  	v25 =	vld [tilespmem:s19+$0x20C0]  }
0xd4: {  	v26 =	vld [tilespmem:s19+$0x60C0]  }
0xd5: {  	v27 =	vld [tilespmem:s19+$0x20D0]  }
0xd6: {  	v28 =	vld [tilespmem:s19+$0x60D0]  }
0xd7: {  	v29 =	vld [tilespmem:s19+$0x20E0]  }
0xd8: {  	v30 =	vld [tilespmem:s19+$0x60E0]  }
0xd9: {  	v31 =	vld [tilespmem:s19+$0x20F0]  }
0xda: {  	v42 =	vld [tilespmem:s19+$0x60F0]  }
0xdb: {  	v43 =	vld [tilespmem:s19+$0xA0C0]  }
0xdc: {  	v44 =	vld [tilespmem:s19+$0xA0D0]  }
0xdd: {  	v45 =	vld [tilespmem:s19+$0xA0E0]  }
0xde: {  	v17 =	vmin.f32 v17, v18;
	v18 =	vmin.f32 v19, v20;
	v19 =	vmin.f32 v21, v22;
	v20 =	vld [tilespmem:s19+$0xA0F0]  }
0xdf: {  	s20 =	simm.s32 $0x80;
	v21 =	vmin.f32 v23, v24;
	v22 =	vmin.f32 v25, v26;
	v23 =	vmin.f32 v27, v28  }
0xe0: {  	v46 =	vld [tilespmem:s20+$0x20E0];
	v25 =	vmin.f32 v29, v30;
	v26 =	vmin.f32 v31, v42;
	v13 =	vmin.f32 v17, v13  }
0xe1: {  	v48 =	vld [tilespmem:s20+$0xA0D0];
	v14 =	vmin.f32 v18, v14;
	v15 =	vmin.f32 v19, v15;
	v16 =	vmin.f32 v21, v16  }
0xe2: {  	v37 =	vld [tilespmem:s20+$0xA0E0];
	v19 =	vmin.f32 v22, v43;
	v21 =	vmin.f32 v23, v44;
	v22 =	vmin.f32 v25, v45  }
0xe3: {  	v24 =	vld [tilespmem:s20+$0xA080];
	vm2 =	vgt.f32 v14, v13;
	vm0 =	vgt.f32 v16, v15;
	v20 =	vmin.f32 v26, v20  }
0xe4: {  	v27 =	vld [tilespmem:s20+$0x20C0];
	vm1 =	vgt.f32 v21, v19;
	v13 =	vsel vm2, v14, v13;
	vm3 =	vgt.f32 v20, v22  }
0xe5: {  	v28 =	vld [tilespmem:s20+$0x60C0];
	v14 =	vsel vm0, v16, v15;
	v16 =	vsel vm1, v21, v19;
	v19 =	vsel vm3, v20, v22  }
0xe6: {  	v29 =	vld [tilespmem:s20+$0x20D0];
	vm4 =	vgt.f32 v14, v13;
	vm5 =	vgt.f32 v19, v16  }
0xe7: {  	v31 =	vld [tilespmem:s20+$0x60D0];
	v13 =	vsel vm4, v14, v13;
	v14 =	vsel vm5, v19, v16  }
0xe8: {  	v17 =	vld [tilespmem:s20+$0xA090];
	vm11 =	vgt.f32 v14, v13  }
0xe9: {  	v25 =	vld [tilespmem:s20+$0x2080];
	v13 =	vsel vm11, v14, v13  }
0xea: {  	v15 =	vld [tilespmem:s20+$0x2090];
	v22 =	vperm.xlane v13, v8  }
0xeb: {  	v21 =	vld [tilespmem:s20+$0x20A0]  }
0xec: {  	v20 =	vld [tilespmem:s20+$0x6090];
	v22 =	vmax.f32 v13, v22  }
0xed: {  	v16 =	vld [tilespmem:s20+$0x60A0];
	v30 =	vperm.xlane v22, v9  }
0xee: {  	v19 =	vld [tilespmem:s20+$0x20B0]  }
0xef: {  	v14 =	vld [tilespmem:s20+$0x60B0];
	v22 =	vmax.f32 v22, v30  }
0xf0: {  	v26 =	vld [tilespmem:s20+$0x6080];
	v47 =	vperm.xlane v22, v10  }
0xf1: {  	v18 =	vld [tilespmem:s20+$0xA0A0];
	v49 =	vsel vm0, v3, v2;
	v50 =	vsel vm1, v5, v4  }
0xf2: {  	v23 =	vld [tilespmem:s20+$0xA0B0];
	v51 =	vsel vm3, v7, v6;
	v16 =	vmin.f32 v21, v16;
	v21 =	vmax.f32 v22, v47  }
0xf3: {  	v15 =	vmin.f32 v15, v20;
	v20 =	vld [tilespmem:s20+$0x20F0];
	v22 =	vmin.f32 v27, v28;
	v28 =	vperm.xlane v21, v11  }
0xf4: {  	v52 =	vsel vm5, v51, v50;
	v19 =	vmin.f32 v19, v14;
	v14 =	vld [tilespmem:s20+$0x60F0];
	v27 =	vsel vm2, v1, v0  }
0xf5: {  	v25 =	vmin.f32 v25, v26;
	v26 =	vld [tilespmem:s20+$0xA0C0];
	v27 =	vsel vm4, v49, v27;
	v21 =	vmax.f32 v21, v28  }
0xf6: {  	v18 =	vmin.f32 v16, v18;
	v30 =	vld [tilespmem:s20+$0x60E0];
	v27 =	vsel vm11, v52, v27;
	vm0 =	veq.f32 v13, v21  }
0xf7: {  	s21 =	simm.s32 $0x100;
	v19 =	vmin.f32 v19, v23;
	v28 =	vmin.f32 v29, v31;
	v29 =	vld [tilespmem:s20+$0xA0F0];
	v21 =	vnsel vm0, $0x80, v27  }
0xf8: {  	v53 =	vld [tilespmem:s21+$0x20B0];
	v24 =	vmin.f32 v25, v24;
	vm5 =	vgt.f32 v19, v18;
	v27 =	vperm.xlane v21, v8  }
0xf9: {  	v54 =	vld [tilespmem:s21+$0x60B0];
	v25 =	vmin.f32 v15, v17;
	v18 =	vsel vm5, v19, v18;
	v20 =	vmin.f32 v20, v14  }
0xfa: {  	v55 =	vld [tilespmem:s21+$0x20C0];
	v22 =	vmin.f32 v22, v26;
	vm4 =	vgt.f32 v25, v24;
	vm0 =	vlt.s32 v21, v27  }
0xfb: {  	v56 =	vld [tilespmem:s21+$0x60C0];
	v13 =	vmin.f32 v46, v30;
	v23 =	vmin.f32 v28, v48;
	v21 =	vsel vm0, v21, v27  }
0xfc: {  	v15 =	vld [tilespmem:s21+$0xA090];
	v13 =	vmin.f32 v13, v37;
	v20 =	vmin.f32 v20, v29;
	v27 =	vperm.xlane v21, v9  }
0xfd: {  	v17 =	vld [tilespmem:s21+$0xA0B0];
	v24 =	vsel vm4, v25, v24;
	vm12 =	vgt.f32 v23, v22;
	vm13 =	vgt.f32 v20, v13  }
0xfe: {  	v16 =	vld [tilespmem:s21+$0xA0A0];
	v19 =	vsel vm12, v23, v22;
	v13 =	vsel vm13, v20, v13;
	vm0 =	vlt.s32 v21, v27  }
0xff: {  	v14 =	vld [tilespmem:s21+$0xA080];
	vm14 =	vgt.f32 v18, v24;
	vm15 =	vgt.f32 v13, v19;
	v20 =	vsel vm0, v21, v27  }
0x100: {  	v26 =	vld [tilespmem:s21+$0x2080];
	v18 =	vsel vm14, v18, v24;
	v13 =	vsel vm15, v13, v19;
	v19 =	vperm.xlane v20, v10  }
0x101: {  	v25 =	vld [tilespmem:s21+$0x2090];
	vm3 =	vgt.f32 v13, v18  }
0x102: {  	v31 =	vld [tilespmem:s21+$0x60A0];
	v18 =	vsel vm3, v13, v18;
	vm0 =	vlt.s32 v20, v19  }
0x103: {  	v28 =	vld [tilespmem:s21+$0x6080];
	v13 =	vperm.xlane v18, v8;
	v21 =	vsel vm0, v20, v19  }
0x104: {  	v30 =	vld [tilespmem:s21+$0x20A0];
	v22 =	vperm.xlane v21, v11  }
0x105: {  	v29 =	vld [tilespmem:s21+$0x6090];
	v23 =	vmax.f32 v18, v13  }
0x106: {  	v27 =	vld [tilespmem:s21+$0x20F0];
	v24 =	vperm.xlane v23, v9;
	vm0 =	vlt.s32 v21, v22  }
0x107: {  	v19 =	vld [tilespmem:s21+$0x20D0];
	v13 =	vsel vm0, v21, v22  }
0x108: {  	v61 =	vsel vm5, v3, v2;
	v20 =	vld [tilespmem:s21+$0x60D0];
	v57 =	vmax.f32 v23, v24;
	vm1 =	veq.s32 v13, v7  }
0x109: {  	v59 =	vsel vm4, v1, v0;
	v21 =	vld [tilespmem:s21+$0x20E0];
	v58 =	vperm.xlane v57, v10;
	v38 =	vsel vm1, $0x3F800000, v12  }
0x10a: {  	v33 =	vsel vm14, v61, v59;
	v62 =	vsel vm12, v5, v4;
	v63 =	vsel vm13, v7, v6;
	v22 =	vld [tilespmem:s21+$0x60E0];
	[tilespmem:s19+$0xE0F0] =	vst v38  }
0x10b: {  	v24 =	vmin.f32 v25, v29;
	v25 =	vmin.f32 v30, v31;
	v36 =	vmax.f32 v57, v58;
	v31 =	vld [tilespmem:s21+$0x60F0]  }
0x10c: {  	v34 =	vsel vm15, v63, v62;
	v23 =	vmin.f32 v26, v28;
	v60 =	vperm.xlane v36, v11;
	v29 =	vld [tilespmem:s21+$0xA0C0]  }
0x10d: {  	v26 =	vmin.f32 v53, v54;
	v28 =	vmin.f32 v55, v56;
	vm0 =	veq.s32 v13, v0;
	v30 =	vld [tilespmem:s21+$0xA0D0]  }
0x10e: {  	s22 =	simm.s32 $0x600;
	vm2 =	veq.s32 v13, v2;
	vm1 =	veq.s32 v13, v1;
	v32 =	vld [tilespmem:s21+$0xA0E0];
	v35 =	vmax.f32 v36, v60  }
.LBB2_6:
0x10f: {  	p0 =	sne.s32 s22, $0x7E00;
	v19 =	vmin.f32 v19, v20;
	v20 =	vld [tilespmem:s21+$0xA0F0];
	v33 =	vsel vm3, v34, v33;
	vm3 =	veq.f32 v18, v35  }
0x110: {  	s23 =	sshra.s32 s22, $0x2;
	v18 =	vmin.f32 v21, v22;
	v21 =	vmin.f32 v27, v31;
	v22 =	vnsel vm3, $0x80, v33  }
0x111: {  	v23 =	vmin.f32 v23, v14;
	v24 =	vmin.f32 v24, v15;
	v14 =	vld [tilespmem:s23+$0xA080];
	v27 =	vperm.xlane v22, v8  }
0x112: {  	v25 =	vmin.f32 v25, v16;
	v26 =	vmin.f32 v26, v17;
	v28 =	vmin.f32 v28, v29;
	v15 =	vld [tilespmem:s23+$0xA090]  }
0x113: {  	v19 =	vmin.f32 v19, v30;
	v16 =	vld [tilespmem:s23+$0xA0A0];
	v18 =	vmin.f32 v18, v32;
	vm3 =	vlt.s32 v22, v27  }
0x114: {  	vm6 =	vgt.f32 v24, v23;
	v17 =	vld [tilespmem:s23+$0xA0B0];
	v20 =	vmin.f32 v21, v20;
	v21 =	vsel vm3, v22, v27  }
0x115: {  	vm4 =	vgt.f32 v26, v25;
	vm5 =	vgt.f32 v19, v28;
	v27 =	vld [tilespmem:s23+$0x2080];
	v22 =	vperm.xlane v21, v9  }
0x116: {  	v23 =	vsel vm6, v24, v23;
	v24 =	vsel vm4, v26, v25;
	vm7 =	vgt.f32 v20, v18;
	v29 =	vld [tilespmem:s23+$0x6080]  }
0x117: {  	v19 =	vsel vm5, v19, v28;
	v18 =	vsel vm7, v20, v18;
	v25 =	vld [tilespmem:s23+$0x2090];
	vm3 =	vlt.s32 v21, v22  }
0x118: {  	vm8 =	vgt.f32 v24, v23;
	vm9 =	vgt.f32 v18, v19;
	v26 =	vld [tilespmem:s23+$0x6090];
	v20 =	vsel vm3, v21, v22  }
0x119: {  	v21 =	vsel vm8, v24, v23;
	v18 =	vsel vm9, v18, v19;
	v28 =	vld [tilespmem:s23+$0x20A0];
	v19 =	vperm.xlane v20, v10  }
0x11a: {  	vm10 =	veq.s32 v13, v3;
	vm11 =	veq.s32 v13, v4;
	vm3 =	vgt.f32 v18, v21;
	v30 =	vld [tilespmem:s23+$0x60A0]  }
0x11b: {  	vm13 =	veq.s32 v13, v5;
	v18 =	vsel vm3, v18, v21;
	v31 =	vld [tilespmem:s23+$0x20B0];
	vm12 =	vlt.s32 v20, v19  }
0x11c: {  	v21 =	vperm.xlane v18, v8;
	v32 =	vld [tilespmem:s23+$0x60B0];
	v22 =	vsel vm12, v20, v19;
	vm12 =	veq.s32 v13, v6  }
0x11d: {  	v19 =	vsel vm0, $0x3F800000, v12;
	v20 =	vsel vm1, $0x3F800000, v12;
	v33 =	vld [tilespmem:s23+$0x20C0];
	v13 =	vperm.xlane v22, v11  }
0x11e: {  	v24 =	vsel vm10, $0x3F800000, v12;
	v23 =	vmax.f32 v18, v21;
	v21 =	vsel vm2, $0x3F800000, v12;
	v34 =	vld [tilespmem:s23+$0x60C0];
	[tilespmem:s19+$0xE080] =	vst v19  }
0x11f: {  	v36 =	vsel vm11, $0x3F800000, v12;
	v35 =	vperm.xlane v23, v9;
	v19 =	vld [tilespmem:s23+$0x20D0];
	vm0 =	vlt.s32 v22, v13;
	[tilespmem:s19+$0xE090] =	vst v20  }
0x120: {  	v37 =	vsel vm13, $0x3F800000, v12;
	v38 =	vsel vm12, $0x3F800000, v12;
	v20 =	vld [tilespmem:s23+$0x60D0];
	v13 =	vsel vm0, v22, v13;
	[tilespmem:s19+$0xE0A0] =	vst v21  }
0x121: {  	v35 =	vmax.f32 v23, v35;
	v21 =	vld [tilespmem:s23+$0x20E0];
	vm0 =	veq.s32 v13, v0;
	vm2 =	veq.s32 v13, v7;
	[tilespmem:s19+$0xE0B0] =	vst v24  }
0x122: {  	v39 =	vperm.xlane v35, v10;
	vm1 =	veq.s32 v13, v1;
	v22 =	vld [tilespmem:s23+$0x60E0];
	v40 =	vsel vm2, $0x3F800000, v12;
	[tilespmem:s19+$0xE0C0] =	vst v36  }
.Ltmp2:
0x123: {  	v23 =	vmin.f32 v27, v29;
	v24 =	vmin.f32 v25, v26;
	vm2 =	veq.s32 v13, v2;
	v27 =	vld [tilespmem:s23+$0x20F0];
	[tilespmem:s20+$0xE0F0] =	vst v40;
	(pc) =	sbr.rel @p0 .LBB2_6-.Ltmp2, $4  }
0x124: {  	v25 =	vmin.f32 v28, v30;
	v26 =	vmin.f32 v31, v32;
	v35 =	vmax.f32 v35, v39;
	v31 =	vld [tilespmem:s23+$0x60F0];
	[tilespmem:s19+$0xE0D0] =	vst v37  }
0x125: {  	v28 =	vmin.f32 v33, v34;
	v33 =	vsel vm6, v1, v0;
	v36 =	vperm.xlane v35, v11;
	v29 =	vld [tilespmem:s23+$0xA0C0];
	[tilespmem:s19+$0xE0E0] =	vst v38;
	s19 =	smov.u32 s20;
	s20 =	smov.u32 s21;
	s21 =	smov.u32 s23  }
0x126: {  	v34 =	vsel vm4, v3, v2;
	v37 =	vsel vm5, v5, v4;
	v38 =	vsel vm7, v7, v6;
	v30 =	vld [tilespmem:s21+$0xA0D0]  }
0x127: {  	s22 =	sadd.s32 $0x200, s22;
	v33 =	vsel vm8, v34, v33;
	v34 =	vsel vm9, v38, v37;
	v35 =	vmax.f32 v35, v36;
	v32 =	vld [tilespmem:s21+$0xA0E0]  }
0x128: {  	v36 =	vld [tilespmem:s21+$0xA0F0]  }
0x129: {  	v19 =	vmin.f32 v19, v20  }
0x12a: {  	v63 =	vmin.f32 v21, v22;
	v14 =	vmin.f32 v23, v14;
	v15 =	vmin.f32 v24, v15  }
0x12b: {  	v16 =	vmin.f32 v25, v16;
	v17 =	vmin.f32 v26, v17;
	v27 =	vmin.f32 v27, v31  }
0x12c: {  	vm4 =	vgt.f32 v15, v14;
	vm5 =	vgt.f32 v17, v16;
	v31 =	vmin.f32 v28, v29  }
0x12d: {  	v19 =	vmin.f32 v19, v30;
	v20 =	vmin.f32 v63, v32;
	v21 =	vmin.f32 v27, v36  }
0x12e: {  	v14 =	vsel vm4, v15, v14;
	vm6 =	vgt.f32 v19, v31;
	vm7 =	vgt.f32 v21, v20  }
0x12f: {  	v15 =	vsel vm5, v17, v16;
	v37 =	vsel vm6, v19, v31;
	v38 =	vsel vm7, v21, v20  }
0x130: {  	vm8 =	vgt.f32 v15, v14;
	vm9 =	vgt.f32 v38, v37  }
0x131: {  	v14 =	vsel vm8, v15, v14;
	v15 =	vsel vm9, v38, v37  }
0x132: {  	vm10 =	vgt.f32 v15, v14  }
0x133: {  	v14 =	vsel vm10, v15, v14  }
0x134: {  	v15 =	vperm.xlane v14, v8;
	_ =	sdelay $0x1  }
0x135: {  	v15 =	vmax.f32 v14, v15  }
0x136: {  	v40 =	vperm.xlane v15, v9  }
0x137: {  	v39 =	vsel vm3, v34, v33;
	vm13 =	veq.f32 v18, v35  }
0x138: {  	v16 =	vnsel vm13, $0x80, v39;
	v15 =	vmax.f32 v15, v40  }
0x139: {  	v41 =	vperm.xlane v16, v8;
	v17 =	vperm.xlane v15, v10;
	_ =	sdelay $0x1  }
0x13a: {  	v43 =	vsel vm4, v1, v0;
	vm3 =	vlt.s32 v16, v41;
	v15 =	vmax.f32 v15, v17  }
0x13b: {  	v45 =	vsel vm5, v3, v2;
	v16 =	vsel vm3, v16, v41;
	v44 =	vperm.xlane v15, v11  }
0x13c: {  	v46 =	vsel vm6, v5, v4;
	v42 =	vperm.xlane v16, v9;
	v47 =	vsel vm7, v7, v6  }
0x13d: {  	v18 =	vsel vm8, v45, v43;
	v48 =	vsel vm9, v47, v46;
	v15 =	vmax.f32 v15, v44  }
0x13e: {  	vm3 =	vlt.s32 v16, v42;
	v18 =	vsel vm10, v48, v18;
	vm14 =	veq.f32 v14, v15  }
0x13f: {  	v14 =	vsel vm3, v16, v42;
	v15 =	vnsel vm14, $0x80, v18  }
0x140: {  	v16 =	vperm.xlane v14, v10;
	v49 =	vperm.xlane v15, v8;
	_ =	sdelay $0x1  }
0x141: {  	vm3 =	vlt.s32 v14, v16;
	vm4 =	vlt.s32 v15, v49  }
0x142: {  	v14 =	vsel vm3, v14, v16;
	v15 =	vsel vm4, v15, v49  }
0x143: {  	v50 =	vsel vm0, $0x3F800000, v12;
	v16 =	vperm.xlane v14, v11;
	v51 =	vperm.xlane v15, v9  }
0x144: {  	vm15 =	veq.s32 v13, v3;
	v52 =	vsel vm1, $0x3F800000, v12;
	v53 =	vsel vm2, $0x3F800000, v12;
	[tilespmem:s19+$0xE080] =	vst v50  }
0x145: {  	[tilespmem:s19+$0xE090] =	vst v52;
	v54 =	vsel vm15, $0x3F800000, v12;
	vm7 =	vlt.s32 v14, v16;
	vm8 =	vlt.s32 v15, v51  }
0x146: {  	[tilespmem:s19+$0xE0A0] =	vst v53;
	vm6 =	veq.s32 v13, v4;
	v14 =	vsel vm7, v14, v16;
	v15 =	vsel vm8, v15, v51  }
0x147: {  	[tilespmem:s19+$0xE0B0] =	vst v54;
	v55 =	vsel vm6, $0x3F800000, v12;
	vm9 =	veq.s32 v14, v7;
	v56 =	vperm.xlane v15, v10  }
0x148: {  	[tilespmem:s19+$0xE0C0] =	vst v55;
	vm10 =	veq.s32 v13, v5;
	v57 =	vsel vm9, $0x3F800000, v12  }
0x149: {  	vm11 =	veq.s32 v13, v6;
	v13 =	vsel vm10, $0x3F800000, v12;
	[tilespmem:s20+$0xE0F0] =	vst v57;
	vm12 =	vlt.s32 v15, v56  }
0x14a: {  	v58 =	vsel vm11, $0x3F800000, v12;
	vm13 =	veq.s32 v14, v0;
	[tilespmem:s19+$0xE0D0] =	vst v13;
	v13 =	vsel vm12, v15, v56  }
0x14b: {  	vm14 =	veq.s32 v14, v1;
	v59 =	vsel vm13, $0x3F800000, v12;
	[tilespmem:s19+$0xE0E0] =	vst v58;
	v15 =	vperm.xlane v13, v11  }
0x14c: {  	vm15 =	veq.s32 v14, v2;
	v60 =	vsel vm14, $0x3F800000, v12;
	[tilespmem:s20+$0xE080] =	vst v59  }
0x14d: {  	vm4 =	veq.s32 v14, v3;
	v61 =	vsel vm15, $0x3F800000, v12;
	[tilespmem:s20+$0xE090] =	vst v60;
	vm5 =	vlt.s32 v13, v15  }
0x14e: {  	vm6 =	veq.s32 v14, v4;
	v62 =	vsel vm4, $0x3F800000, v12;
	[tilespmem:s20+$0xE0A0] =	vst v61;
	v13 =	vsel vm5, v13, v15  }
0x14f: {  	[tilespmem:s20+$0xE0B0] =	vst v62;
	v15 =	vsel vm6, $0x3F800000, v12;
	vm0 =	veq.s32 v13, v7  }
0x150: {  	vm7 =	veq.s32 v14, v5;
	[tilespmem:s20+$0xE0C0] =	vst v15;
	v63 =	vsel vm0, $0x3F800000, v12  }
0x151: {  	vm8 =	veq.s32 v14, v6;
	v14 =	vsel vm7, $0x3F800000, v12;
	[tilespmem:s21+$0xE0F0] =	vst v63  }
0x152: {  	v15 =	vsel vm8, $0x3F800000, v12;
	vm9 =	veq.s32 v13, v0;
	[tilespmem:s20+$0xE0D0] =	vst v14  }
0x153: {  	vm10 =	veq.s32 v13, v1;
	vm11 =	veq.s32 v13, v2;
	[tilespmem:s20+$0xE0E0] =	vst v15;
	v14 =	vsel vm9, $0x3F800000, v12  }
0x154: {  	vm12 =	veq.s32 v13, v3;
	vm14 =	veq.s32 v13, v5;
	v15 =	vsel vm10, $0x3F800000, v12;
	[tilespmem:s21+$0xE080] =	vst v14  }
0x155: {  	vm13 =	veq.s32 v13, v4;
	vm15 =	veq.s32 v13, v6;
	v13 =	vsel vm14, $0x3F800000, v12;
	[tilespmem:s21+$0xE090] =	vst v15  }
0x156: {  	v14 =	vsel vm11, $0x3F800000, v12;
	[tilespmem:s21+$0xE0D0] =	vst v13  }
0x157: {  	v15 =	vsel vm12, $0x3F800000, v12;
	[tilespmem:s21+$0xE0A0] =	vst v14  }
0x158: {  	v14 =	vsel vm13, $0x3F800000, v12;
	[tilespmem:s21+$0xE0B0] =	vst v15  }
0x159: {  	[tilespmem:s21+$0xE0C0] =	vst v14;
	v14 =	vsel vm15, $0x3F800000, v12  }
0x15a: {  	[tilespmem:s21+$0xE0E0] =	vst v14  }
0x15b: {  	s18 =	sadd.s32 $0x1, s18;
	_ =	swait.ge [sflag:s15], $0x2000  }
0x15c: {  	p0 =	sne.s32 s18, s10;
	[sflag:s15] =	ssyncset.done $0x0  }
.Ltmp3:
0x15d: {  	[sflag:s15] =	ssyncadd.s32 $0xFFFFE000;
	(pc) =	sbr.rel @p0 .LBB2_1-.Ltmp3, $4  }
0x15e: {  	[hbm4b:s9+s3] =	stream.linear.scatter [tilespmem:s17], [sflag:$0x2], $0x2000, $0x38;
	[tilespmem:$0x10080] =	vst v63  }
0x15f: {  	_ =	swait.ge [sflag:s13], $0x2000  }
0x160: {  	[sflag:s13] =	ssyncset.done $0x0  }
0x161: {  	[sflag:s13] =	ssyncadd.s32 $0xFFFFE000  }
0x162: {  	_ =	sfence.sel $0x180000  }
0x163: {  	[bflag:$0x0] =	sbarrier.arrive $0xFFFF  }
0x164: {  	p0 =	sne.s32 s2, $0x0;
	_ =	strace $0x90000047  }
0x165: {  	s0 =	sadd.s32 @!p0 $0x100000, s1;
	[bflag:$0x2] =	sbarrier.arrive $0xFFFF  }
0x166: {  	[sflag:s0] =	ssyncadd.tile.s32 @!p0 $0x1;
	_ =	shalt  }
.Lfunc_end2:
_tile_overlayer_lowered:
.L_overlay_start_2:
0x167: {  	(tag) =	ssettag $0x2  }
0x168: {  	s0 =	rddreg [dreg:$0x0];
	s2 =	stileid.u32  }
0x169: {  	s1 =	rddreg [dreg:$0x1];
	p0 =	sne.s32 s2, $0x0  }
0x16a: {  	s3 =	rddreg [dreg:$0x2];
	[bflag:$0x3] =	sbarrier.arrive $0xFFFF;
	s2 =	simm.s32 @!p0 $0x1C02  }
0x16b: {  	[timem:s3], [sflag:s2] =	dma.local @!p0 [hbm:s0], s1  }
0x16c: {  	s0 =	simm.s32 @!p0 $0x2  }
0x16d: {  	_ =	swait.ge @!p0 [sflag:s0], s1  }
0x16e: {  	s1 =	ssub.s32 @!p0 $0x0, s1;
	[sflag:s0] =	ssyncset.done @!p0 $0x0  }
0x16f: {  	[sflag:s0] =	ssyncadd.s32 @!p0 s1  }
0x170: {  	[bflag:$0x3] =	sbarrier.arrive $0xFFFF  }
0x171: {  	_ =	shalt  }

</sc_bundles>
